<compile_context>
chip_gen: v7x
topology: tpu7x:2x2x1
jax: 0.10.2.dev20260603
libtpu: 0.0.44.dev20260713+nightly
codegen_flags: <defaults>
</compile_context>

<pallas_src>
import functools

import jax
import jax.numpy as jnp
from jax import lax
from jax.experimental import pallas as pl
from jax.experimental.pallas import tpu as pltpu
from jax.experimental.pallas import tpu_sc as plsc

POOL = 4096
SEL = 8
PLEN = 8
DIM = 768
B = 512

NC = 2
NS = 16
NW = NC * NS
NIDX = B * SEL
BPW = NIDX // NW
CH = 16


NKC = 4
KC = POOL // NKC


def _topk_body(q_ref, k_ref, qn_ref, kn_ref, sim_ref, idx_ref, match_ref):
    i = pl.program_id(0)
    dot = lax.dot_general(q_ref[...], k_ref[...], (((1,), (1,)), ((), ())),
                          preferred_element_type=jnp.float32)
    blk = 1.0 - dot / (qn_ref[...] * kn_ref[...])
    for c in range(NKC):
        @pl.when(i == c)
        def _():
            match_ref[:, c * KC:(c + 1) * KC] = blk

    @pl.when(i == NKC - 1)
    def _():
        INF = jnp.float32(jnp.inf)
        POOLF = jnp.float32(POOL)
        LN = 128
        lanef = lax.broadcasted_iota(jnp.int32, (B, LN), 1).astype(jnp.float32)
        M1 = M2 = M3 = jnp.full((B, LN), INF)
        C1 = C2 = C3 = jnp.full((B, LN), POOLF)
        D = jnp.full((B, LN), INF)
        for c in range(POOL // LN):
            v = match_ref[:, c * LN:(c + 1) * LN]
            colv = lanef + jnp.float32(c * LN)
            lt1 = v < M1
            d1 = jnp.where(lt1, M1, v)
            dc1 = jnp.where(lt1, C1, colv)
            M1 = jnp.where(lt1, v, M1)
            C1 = jnp.where(lt1, colv, C1)
            lt2 = d1 < M2
            d2 = jnp.where(lt2, M2, d1)
            dc2 = jnp.where(lt2, C2, dc1)
            M2 = jnp.where(lt2, d1, M2)
            C2 = jnp.where(lt2, dc1, C2)
            lt3 = d2 < M3
            d3 = jnp.where(lt3, M3, d2)
            M3 = jnp.where(lt3, d2, M3)
            C3 = jnp.where(lt3, dc2, C3)
            D = jnp.minimum(D, d3)
        sims, idxs = [], []
        for j in range(SEL):
            m = jnp.min(M1, axis=1, keepdims=True)
            amin = jnp.min(jnp.where(M1 == m, C1, POOLF),
                           axis=1, keepdims=True)
            sims.append(m)
            idxs.append(amin)
            if j + 1 < SEL:
                mask = C1 == amin
                M1 = jnp.where(mask, M2, M1)
                C1 = jnp.where(mask, C2, C1)
                M2 = jnp.where(mask, M3, M2)
                C2 = jnp.where(mask, C3, C2)
                M3 = jnp.where(mask, INF, M3)
        sim_ref[...] = jnp.concatenate(sims, axis=1)
        idx_ref[...] = jnp.concatenate(idxs, axis=1).astype(jnp.int32)
        bad = jnp.max(jnp.where(jnp.min(D, axis=1, keepdims=True) <= sims[-1],
                                1.0, 0.0))

        @pl.when(bad > 0.0)
        def _():
            colf = lax.broadcasted_iota(jnp.int32, (B, POOL), 1).astype(
                jnp.float32)
            fsims, fidxs = [], []
            for j in range(SEL):
                w = match_ref[...]
                fm = jnp.min(w, axis=1, keepdims=True)
                famin = jnp.min(jnp.where(w == fm, colf, POOLF),
                                axis=1, keepdims=True)
                fsims.append(fm)
                fidxs.append(famin)
                if j + 1 < SEL:
                    match_ref[...] = jnp.where(colf == famin, INF, w)
            sim_ref[...] = jnp.concatenate(fsims, axis=1)
            idx_ref[...] = jnp.concatenate(fidxs, axis=1).astype(jnp.int32)


def _topk(query, prompt_key, qn, kn):
    return pl.pallas_call(
        _topk_body,
        grid=(NKC,),
        in_specs=[
            pl.BlockSpec((B, DIM), lambda i: (0, 0)),
            pl.BlockSpec((KC, DIM), lambda i: (i, 0)),
            pl.BlockSpec((B, 1), lambda i: (0, 0)),
            pl.BlockSpec((1, KC), lambda i: (0, i)),
        ],
        out_specs=(pl.BlockSpec((B, SEL), lambda i: (0, 0)),
                   pl.BlockSpec((B, SEL), lambda i: (0, 0))),
        out_shape=(jax.ShapeDtypeStruct((B, SEL), jnp.float32),
                   jax.ShapeDtypeStruct((B, SEL), jnp.int32)),
        scratch_shapes=[pltpu.VMEM((B, POOL), jnp.float32)],
        compiler_params=pltpu.CompilerParams(
            vmem_limit_bytes=100 * 1024 * 1024),
    )(query, prompt_key, qn, kn)


def _gather_body(table_hbm, idx_hbm, out_hbm, idx_v, rows_v, sem):
    wid = lax.axis_index("s") * NC + lax.axis_index("c")
    base = wid * BPW
    pltpu.sync_copy(idx_hbm.at[pl.ds(base, BPW)], idx_v)
    for g in range(BPW // CH):
        pltpu.async_copy(table_hbm.at[idx_v.at[pl.ds(g * CH, CH)]],
                         rows_v, sem).wait()
        pltpu.sync_copy(rows_v, out_hbm.at[pl.ds(base + g * CH, CH)])


@functools.cache
def _gather_kernel():
    return pl.kernel(
        _gather_body,
        out_type=jax.ShapeDtypeStruct((NIDX, PLEN, DIM), jnp.float32),
        mesh=plsc.VectorSubcoreMesh(core_axis_name="c", subcore_axis_name="s",
                                    num_cores=NC, num_subcores=NS),
        scratch_types=[
            pltpu.VMEM((BPW,), jnp.int32),
            pltpu.VMEM((CH, PLEN, DIM), jnp.float32),
            pltpu.SemaphoreType.DMA,
        ],
    )


def kernel(query, prompt_key, prompts):
    eps = 1e-8
    qn = jnp.maximum(jnp.linalg.norm(query, axis=-1), eps)
    kn = jnp.maximum(jnp.linalg.norm(prompt_key, axis=-1), eps)
    similarity, topk = _topk(query, prompt_key, qn[:, None], kn[None, :])
    sel = _gather_kernel()(prompts, topk.reshape(NIDX))
    return similarity, sel.reshape(B, SEL, PLEN, DIM)

# --- scband reference (transcript-rebuilt; emitter-appended) ---
"""Pipeline reference for scband-prompt-24017457119320 (READ-ONLY COPY).

The authoritative reference and input builder live on the scoring server;
editing this copy changes nothing except your own understanding.
"""

import jax, jax.numpy as jnp
import numpy as np

POOL = 4096
SEL = 8
PLEN = 8
DIM = 768
B = 512


def setup_inputs(seed: int = 0) -> dict:
    key = jax.random.key(seed)
    k1, k2, k3 = jax.random.split(key, 3)
    query = jax.random.normal(k1, (B, DIM), dtype=jnp.float32)
    # learned parameters, initialized uniform(-1, 1) as in the torch module
    prompt_key = jax.random.uniform(k2, (POOL, DIM), dtype=jnp.float32, minval=-1.0, maxval=1.0)
    prompts = jax.random.uniform(k3, (POOL, PLEN, DIM), dtype=jnp.float32, minval=-1.0, maxval=1.0)
    return {"query": query, "prompt_key": prompt_key, "prompts": prompts}


def reference(query, prompt_key, prompts):
    # match = 1 - cosine_similarity(query[:, None, :], key, dim=-1)  -> [B, POOL]
    eps = 1e-8
    dot = query @ prompt_key.T                                  # [B, POOL]
    qn = jnp.maximum(jnp.linalg.norm(query, axis=-1), eps)      # [B]
    kn = jnp.maximum(jnp.linalg.norm(prompt_key, axis=-1), eps) # [POOL]
    sim = dot / (qn[:, None] * kn[None, :])
    match = 1.0 - sim
    # scores = match (eval path / no diversed selection); topk smallest, sorted ascending
    neg_vals, topk = jax.lax.top_k(-match, SEL)                 # [B, SEL] indices of smallest match
    # similarity = match.gather(1, topk)
    similarity = jnp.take_along_axis(match, topk, axis=1)       # [B, SEL]
    # selection = prompts gathered per selected index -> [B, SEL, PLEN, DIM]
    selection = prompts[topk]
    return (similarity, selection)

if __name__ == "__main__":
    import jax
    _d = setup_inputs()
    print(jax.jit(kernel)(*tuple(_d.values())))

</pallas_src>

<mosaic_0001>
#map = affine_map<(d0, d1) -> (0, 0, 0)>
#map1 = affine_map<(d0, d1) -> (0)>
module attributes {stable_mosaic.version = 14 : i64} {
  func.func @_gather_body(%arg0: i32, %arg1: i32, %arg2: memref<4096x8x768xf32, #tpu.memory_space<hbm>>, %arg3: memref<4096xi32, #tpu.memory_space<hbm>>, %arg4: memref<4096x8x768xf32, #tpu.memory_space<hbm>>, %arg5: memref<128xi32, #tpu.memory_space<vmem>>, %arg6: memref<16x8x768xf32, #tpu.memory_space<vmem>>, %arg7: memref<!tpu.dma_semaphore, #tpu.memory_space<semaphore_mem>>) attributes {dimension_semantics = [#tpu.dimension_semantics<core_parallel>, #tpu.dimension_semantics<subcore_parallel>], iteration_bounds = array<i64: 2, 16>, scalar_prefetch = 0 : i64, scratch_operands = 3 : i64, tpu.core_type = #tpu.core_type<sc_vector_subcore>, window_params = [{transform_indices = #map}, {transform_indices = #map1}, {transform_indices = #map}]} {
    %mul3A = arith.constant 2 : i32
    %mul3A_0 = arith.muli %arg1, %mul3A : i32
    %add3A = arith.addi %mul3A_0, %arg0 : i32
    %mul3A_1 = arith.constant 128 : i32
    %mul3A_2 = arith.muli %add3A, %mul3A_1 : i32
    "tpu.region"() ({
      %run_scoped3A = tpu.sem_alloc : memref<!tpu.dma_semaphore, #tpu.memory_space<semaphore_mem>>
      %dma_start3A_113 = tpu.memref_slice %arg3[%mul3A_2] : memref<4096xi32, #tpu.memory_space<hbm>> -> memref<128xi32, #tpu.memory_space<hbm>>
      %dma_start3A_114 = tpu.memref_slice %arg3[%mul3A_2] : memref<4096xi32, #tpu.memory_space<hbm>> -> memref<128xi32, #tpu.memory_space<hbm>>
      tpu.enqueue_dma source(%dma_start3A_114 : memref<128xi32, #tpu.memory_space<hbm>>) target(%arg5 : memref<128xi32, #tpu.memory_space<vmem>>) target_semaphore(%run_scoped3A : memref<!tpu.dma_semaphore, #tpu.memory_space<semaphore_mem>>)
      %dma_wait3A_115 = tpu.memref_slice %arg3[%mul3A_2] : memref<4096xi32, #tpu.memory_space<hbm>> -> memref<128xi32, #tpu.memory_space<hbm>>
      %dma_wait3A_116 = tpu.memref_slice %arg3[%mul3A_2] : memref<4096xi32, #tpu.memory_space<hbm>> -> memref<128xi32, #tpu.memory_space<hbm>>
      tpu.wait_dma2 semaphore(%run_scoped3A : memref<!tpu.dma_semaphore, #tpu.memory_space<semaphore_mem>>) src(%dma_wait3A_116 : memref<128xi32, #tpu.memory_space<hbm>>) dst(%arg5 : memref<128xi32, #tpu.memory_space<vmem>>)
      tpu.yield
    }) : () -> ()
    %dma_start3A = arith.constant 0 : i32
    %dma_start3A_3 = tpu.memref_slice %arg5[%dma_start3A] : memref<128xi32, #tpu.memory_space<vmem>> -> memref<16xi32, #tpu.memory_space<vmem>>
    %dma_start3A_4 = arith.constant 0 : i32
    %dma_start3A_5 = arith.constant 0 : i32
    %dma_start3A_6 = arith.constant 0 : i32
    %dma_start3A_7 = tpu.memref_slice %arg2[%dma_start3A_4, %dma_start3A_5, %dma_start3A_6] : memref<4096x8x768xf32, #tpu.memory_space<hbm>> -> memref<4096x8x768xf32, #tpu.memory_space<hbm>>
    tpu.enqueue_indirect_dma source(%dma_start3A_7 : memref<4096x8x768xf32, #tpu.memory_space<hbm>>) target(%arg6 : memref<16x8x768xf32, #tpu.memory_space<vmem>>) offsets(%dma_start3A_3 : memref<16xi32, #tpu.memory_space<vmem>>) semaphore(%arg7 : memref<!tpu.dma_semaphore, #tpu.memory_space<semaphore_mem>>)
    %dma_wait3A = arith.constant 0 : i32
    %dma_wait3A_8 = tpu.memref_slice %arg5[%dma_wait3A] : memref<128xi32, #tpu.memory_space<vmem>> -> memref<16xi32, #tpu.memory_space<vmem>>
    %dma_wait3A_9 = arith.constant 0 : i32
    %dma_wait3A_10 = arith.constant 0 : i32
    %dma_wait3A_11 = arith.constant 0 : i32
    %dma_wait3A_12 = tpu.memref_slice %arg2[%dma_wait3A_9, %dma_wait3A_10, %dma_wait3A_11] : memref<4096x8x768xf32, #tpu.memory_space<hbm>> -> memref<4096x8x768xf32, #tpu.memory_space<hbm>>
    tpu.wait_indirect_dma semaphore(%arg7 : memref<!tpu.dma_semaphore, #tpu.memory_space<semaphore_mem>>) src(%dma_wait3A_12 : memref<4096x8x768xf32, #tpu.memory_space<hbm>>) dst(%arg6 : memref<16x8x768xf32, #tpu.memory_space<vmem>>)
    %add3A_13 = arith.constant 0 : i32
    %add3A_14 = arith.addi %mul3A_2, %add3A_13 : i32
    "tpu.region"() ({
      %run_scoped3A = tpu.sem_alloc : memref<!tpu.dma_semaphore, #tpu.memory_space<semaphore_mem>>
      %dma_start3A_113 = arith.constant 0 : i32
      %dma_start3A_114 = arith.constant 0 : i32
      %dma_start3A_115 = tpu.memref_slice %arg4[%add3A_14, %dma_start3A_113, %dma_start3A_114] : memref<4096x8x768xf32, #tpu.memory_space<hbm>> -> memref<16x8x768xf32, #tpu.memory_space<hbm>>
      %dma_start3A_116 = arith.constant 0 : i32
      %dma_start3A_117 = arith.constant 0 : i32
      %dma_start3A_118 = tpu.memref_slice %arg4[%add3A_14, %dma_start3A_116, %dma_start3A_117] : memref<4096x8x768xf32, #tpu.memory_space<hbm>> -> memref<16x8x768xf32, #tpu.memory_space<hbm>>
      tpu.enqueue_dma source(%arg6 : memref<16x8x768xf32, #tpu.memory_space<vmem>>) target(%dma_start3A_118 : memref<16x8x768xf32, #tpu.memory_space<hbm>>) target_semaphore(%run_scoped3A : memref<!tpu.dma_semaphore, #tpu.memory_space<semaphore_mem>>)
      %dma_wait3A_119 = arith.constant 0 : i32
      %dma_wait3A_120 = arith.constant 0 : i32
      %dma_wait3A_121 = tpu.memref_slice %arg4[%add3A_14, %dma_wait3A_119, %dma_wait3A_120] : memref<4096x8x768xf32, #tpu.memory_space<hbm>> -> memref<16x8x768xf32, #tpu.memory_space<hbm>>
      %dma_wait3A_122 = arith.constant 0 : i32
      %dma_wait3A_123 = arith.constant 0 : i32
      %dma_wait3A_124 = tpu.memref_slice %arg4[%add3A_14, %dma_wait3A_122, %dma_wait3A_123] : memref<4096x8x768xf32, #tpu.memory_space<hbm>> -> memref<16x8x768xf32, #tpu.memory_space<hbm>>
      tpu.wait_dma2 semaphore(%run_scoped3A : memref<!tpu.dma_semaphore, #tpu.memory_space<semaphore_mem>>) src(%arg6 : memref<16x8x768xf32, #tpu.memory_space<vmem>>) dst(%dma_wait3A_124 : memref<16x8x768xf32, #tpu.memory_space<hbm>>)
      tpu.yield
    }) : () -> ()
    %dma_start3A_15 = arith.constant 16 : i32
    %dma_start3A_16 = tpu.memref_slice %arg5[%dma_start3A_15] : memref<128xi32, #tpu.memory_space<vmem>> -> memref<16xi32, #tpu.memory_space<vmem>>
    %dma_start3A_17 = arith.constant 0 : i32
    %dma_start3A_18 = arith.constant 0 : i32
    %dma_start3A_19 = arith.constant 0 : i32
    %dma_start3A_20 = tpu.memref_slice %arg2[%dma_start3A_17, %dma_start3A_18, %dma_start3A_19] : memref<4096x8x768xf32, #tpu.memory_space<hbm>> -> memref<4096x8x768xf32, #tpu.memory_space<hbm>>
    tpu.enqueue_indirect_dma source(%dma_start3A_20 : memref<4096x8x768xf32, #tpu.memory_space<hbm>>) target(%arg6 : memref<16x8x768xf32, #tpu.memory_space<vmem>>) offsets(%dma_start3A_16 : memref<16xi32, #tpu.memory_space<vmem>>) semaphore(%arg7 : memref<!tpu.dma_semaphore, #tpu.memory_space<semaphore_mem>>)
    %dma_wait3A_21 = arith.constant 16 : i32
    %dma_wait3A_22 = tpu.memref_slice %arg5[%dma_wait3A_21] : memref<128xi32, #tpu.memory_space<vmem>> -> memref<16xi32, #tpu.memory_space<vmem>>
    %dma_wait3A_23 = arith.constant 0 : i32
    %dma_wait3A_24 = arith.constant 0 : i32
    %dma_wait3A_25 = arith.constant 0 : i32
    %dma_wait3A_26 = tpu.memref_slice %arg2[%dma_wait3A_23, %dma_wait3A_24, %dma_wait3A_25] : memref<4096x8x768xf32, #tpu.memory_space<hbm>> -> memref<4096x8x768xf32, #tpu.memory_space<hbm>>
    tpu.wait_indirect_dma semaphore(%arg7 : memref<!tpu.dma_semaphore, #tpu.memory_space<semaphore_mem>>) src(%dma_wait3A_26 : memref<4096x8x768xf32, #tpu.memory_space<hbm>>) dst(%arg6 : memref<16x8x768xf32, #tpu.memory_space<vmem>>)
    %add3A_27 = arith.constant 16 : i32
    %add3A_28 = arith.addi %mul3A_2, %add3A_27 : i32
    "tpu.region"() ({
      %run_scoped3A = tpu.sem_alloc : memref<!tpu.dma_semaphore, #tpu.memory_space<semaphore_mem>>
      %dma_start3A_113 = arith.constant 0 : i32
      %dma_start3A_114 = arith.constant 0 : i32
      %dma_start3A_115 = tpu.memref_slice %arg4[%add3A_28, %dma_start3A_113, %dma_start3A_114] : memref<4096x8x768xf32, #tpu.memory_space<hbm>> -> memref<16x8x768xf32, #tpu.memory_space<hbm>>
      %dma_start3A_116 = arith.constant 0 : i32
      %dma_start3A_117 = arith.constant 0 : i32
      %dma_start3A_118 = tpu.memref_slice %arg4[%add3A_28, %dma_start3A_116, %dma_start3A_117] : memref<4096x8x768xf32, #tpu.memory_space<hbm>> -> memref<16x8x768xf32, #tpu.memory_space<hbm>>
      tpu.enqueue_dma source(%arg6 : memref<16x8x768xf32, #tpu.memory_space<vmem>>) target(%dma_start3A_118 : memref<16x8x768xf32, #tpu.memory_space<hbm>>) target_semaphore(%run_scoped3A : memref<!tpu.dma_semaphore, #tpu.memory_space<semaphore_mem>>)
      %dma_wait3A_119 = arith.constant 0 : i32
      %dma_wait3A_120 = arith.constant 0 : i32
      %dma_wait3A_121 = tpu.memref_slice %arg4[%add3A_28, %dma_wait3A_119, %dma_wait3A_120] : memref<4096x8x768xf32, #tpu.memory_space<hbm>> -> memref<16x8x768xf32, #tpu.memory_space<hbm>>
      %dma_wait3A_122 = arith.constant 0 : i32
      %dma_wait3A_123 = arith.constant 0 : i32
      %dma_wait3A_124 = tpu.memref_slice %arg4[%add3A_28, %dma_wait3A_122, %dma_wait3A_123] : memref<4096x8x768xf32, #tpu.memory_space<hbm>> -> memref<16x8x768xf32, #tpu.memory_space<hbm>>
      tpu.wait_dma2 semaphore(%run_scoped3A : memref<!tpu.dma_semaphore, #tpu.memory_space<semaphore_mem>>) src(%arg6 : memref<16x8x768xf32, #tpu.memory_space<vmem>>) dst(%dma_wait3A_124 : memref<16x8x768xf32, #tpu.memory_space<hbm>>)
      tpu.yield
    }) : () -> ()
    %dma_start3A_29 = arith.constant 32 : i32
    %dma_start3A_30 = tpu.memref_slice %arg5[%dma_start3A_29] : memref<128xi32, #tpu.memory_space<vmem>> -> memref<16xi32, #tpu.memory_space<vmem>>
    %dma_start3A_31 = arith.constant 0 : i32
    %dma_start3A_32 = arith.constant 0 : i32
    %dma_start3A_33 = arith.constant 0 : i32
    %dma_start3A_34 = tpu.memref_slice %arg2[%dma_start3A_31, %dma_start3A_32, %dma_start3A_33] : memref<4096x8x768xf32, #tpu.memory_space<hbm>> -> memref<4096x8x768xf32, #tpu.memory_space<hbm>>
    tpu.enqueue_indirect_dma source(%dma_start3A_34 : memref<4096x8x768xf32, #tpu.memory_space<hbm>>) target(%arg6 : memref<16x8x768xf32, #tpu.memory_space<vmem>>) offsets(%dma_start3A_30 : memref<16xi32, #tpu.memory_space<vmem>>) semaphore(%arg7 : memref<!tpu.dma_semaphore, #tpu.memory_space<semaphore_mem>>)
    %dma_wait3A_35 = arith.constant 32 : i32
    %dma_wait3A_36 = tpu.memref_slice %arg5[%dma_wait3A_35] : memref<128xi32, #tpu.memory_space<vmem>> -> memref<16xi32, #tpu.memory_space<vmem>>
    %dma_wait3A_37 = arith.constant 0 : i32
    %dma_wait3A_38 = arith.constant 0 : i32
    %dma_wait3A_39 = arith.constant 0 : i32
    %dma_wait3A_40 = tpu.memref_slice %arg2[%dma_wait3A_37, %dma_wait3A_38, %dma_wait3A_39] : memref<4096x8x768xf32, #tpu.memory_space<hbm>> -> memref<4096x8x768xf32, #tpu.memory_space<hbm>>
    tpu.wait_indirect_dma semaphore(%arg7 : memref<!tpu.dma_semaphore, #tpu.memory_space<semaphore_mem>>) src(%dma_wait3A_40 : memref<4096x8x768xf32, #tpu.memory_space<hbm>>) dst(%arg6 : memref<16x8x768xf32, #tpu.memory_space<vmem>>)
    %add3A_41 = arith.constant 32 : i32
    %add3A_42 = arith.addi %mul3A_2, %add3A_41 : i32
    "tpu.region"() ({
      %run_scoped3A = tpu.sem_alloc : memref<!tpu.dma_semaphore, #tpu.memory_space<semaphore_mem>>
      %dma_start3A_113 = arith.constant 0 : i32
      %dma_start3A_114 = arith.constant 0 : i32
      %dma_start3A_115 = tpu.memref_slice %arg4[%add3A_42, %dma_start3A_113, %dma_start3A_114] : memref<4096x8x768xf32, #tpu.memory_space<hbm>> -> memref<16x8x768xf32, #tpu.memory_space<hbm>>
      %dma_start3A_116 = arith.constant 0 : i32
      %dma_start3A_117 = arith.constant 0 : i32
      %dma_start3A_118 = tpu.memref_slice %arg4[%add3A_42, %dma_start3A_116, %dma_start3A_117] : memref<4096x8x768xf32, #tpu.memory_space<hbm>> -> memref<16x8x768xf32, #tpu.memory_space<hbm>>
      tpu.enqueue_dma source(%arg6 : memref<16x8x768xf32, #tpu.memory_space<vmem>>) target(%dma_start3A_118 : memref<16x8x768xf32, #tpu.memory_space<hbm>>) target_semaphore(%run_scoped3A : memref<!tpu.dma_semaphore, #tpu.memory_space<semaphore_mem>>)
      %dma_wait3A_119 = arith.constant 0 : i32
      %dma_wait3A_120 = arith.constant 0 : i32
      %dma_wait3A_121 = tpu.memref_slice %arg4[%add3A_42, %dma_wait3A_119, %dma_wait3A_120] : memref<4096x8x768xf32, #tpu.memory_space<hbm>> -> memref<16x8x768xf32, #tpu.memory_space<hbm>>
      %dma_wait3A_122 = arith.constant 0 : i32
      %dma_wait3A_123 = arith.constant 0 : i32
      %dma_wait3A_124 = tpu.memref_slice %arg4[%add3A_42, %dma_wait3A_122, %dma_wait3A_123] : memref<4096x8x768xf32, #tpu.memory_space<hbm>> -> memref<16x8x768xf32, #tpu.memory_space<hbm>>
      tpu.wait_dma2 semaphore(%run_scoped3A : memref<!tpu.dma_semaphore, #tpu.memory_space<semaphore_mem>>) src(%arg6 : memref<16x8x768xf32, #tpu.memory_space<vmem>>) dst(%dma_wait3A_124 : memref<16x8x768xf32, #tpu.memory_space<hbm>>)
      tpu.yield
    }) : () -> ()
    %dma_start3A_43 = arith.constant 48 : i32
    %dma_start3A_44 = tpu.memref_slice %arg5[%dma_start3A_43] : memref<128xi32, #tpu.memory_space<vmem>> -> memref<16xi32, #tpu.memory_space<vmem>>
    %dma_start3A_45 = arith.constant 0 : i32
    %dma_start3A_46 = arith.constant 0 : i32
    %dma_start3A_47 = arith.constant 0 : i32
    %dma_start3A_48 = tpu.memref_slice %arg2[%dma_start3A_45, %dma_start3A_46, %dma_start3A_47] : memref<4096x8x768xf32, #tpu.memory_space<hbm>> -> memref<4096x8x768xf32, #tpu.memory_space<hbm>>
    tpu.enqueue_indirect_dma source(%dma_start3A_48 : memref<4096x8x768xf32, #tpu.memory_space<hbm>>) target(%arg6 : memref<16x8x768xf32, #tpu.memory_space<vmem>>) offsets(%dma_start3A_44 : memref<16xi32, #tpu.memory_space<vmem>>) semaphore(%arg7 : memref<!tpu.dma_semaphore, #tpu.memory_space<semaphore_mem>>)
    %dma_wait3A_49 = arith.constant 48 : i32
    %dma_wait3A_50 = tpu.memref_slice %arg5[%dma_wait3A_49] : memref<128xi32, #tpu.memory_space<vmem>> -> memref<16xi32, #tpu.memory_space<vmem>>
    %dma_wait3A_51 = arith.constant 0 : i32
    %dma_wait3A_52 = arith.constant 0 : i32
    %dma_wait3A_53 = arith.constant 0 : i32
    %dma_wait3A_54 = tpu.memref_slice %arg2[%dma_wait3A_51, %dma_wait3A_52, %dma_wait3A_53] : memref<4096x8x768xf32, #tpu.memory_space<hbm>> -> memref<4096x8x768xf32, #tpu.memory_space<hbm>>
    tpu.wait_indirect_dma semaphore(%arg7 : memref<!tpu.dma_semaphore, #tpu.memory_space<semaphore_mem>>) src(%dma_wait3A_54 : memref<4096x8x768xf32, #tpu.memory_space<hbm>>) dst(%arg6 : memref<16x8x768xf32, #tpu.memory_space<vmem>>)
    %add3A_55 = arith.constant 48 : i32
    %add3A_56 = arith.addi %mul3A_2, %add3A_55 : i32
    "tpu.region"() ({
      %run_scoped3A = tpu.sem_alloc : memref<!tpu.dma_semaphore, #tpu.memory_space<semaphore_mem>>
      %dma_start3A_113 = arith.constant 0 : i32
      %dma_start3A_114 = arith.constant 0 : i32
      %dma_start3A_115 = tpu.memref_slice %arg4[%add3A_56, %dma_start3A_113, %dma_start3A_114] : memref<4096x8x768xf32, #tpu.memory_space<hbm>> -> memref<16x8x768xf32, #tpu.memory_space<hbm>>
      %dma_start3A_116 = arith.constant 0 : i32
      %dma_start3A_117 = arith.constant 0 : i32
      %dma_start3A_118 = tpu.memref_slice %arg4[%add3A_56, %dma_start3A_116, %dma_start3A_117] : memref<4096x8x768xf32, #tpu.memory_space<hbm>> -> memref<16x8x768xf32, #tpu.memory_space<hbm>>
      tpu.enqueue_dma source(%arg6 : memref<16x8x768xf32, #tpu.memory_space<vmem>>) target(%dma_start3A_118 : memref<16x8x768xf32, #tpu.memory_space<hbm>>) target_semaphore(%run_scoped3A : memref<!tpu.dma_semaphore, #tpu.memory_space<semaphore_mem>>)
      %dma_wait3A_119 = arith.constant 0 : i32
      %dma_wait3A_120 = arith.constant 0 : i32
      %dma_wait3A_121 = tpu.memref_slice %arg4[%add3A_56, %dma_wait3A_119, %dma_wait3A_120] : memref<4096x8x768xf32, #tpu.memory_space<hbm>> -> memref<16x8x768xf32, #tpu.memory_space<hbm>>
      %dma_wait3A_122 = arith.constant 0 : i32
      %dma_wait3A_123 = arith.constant 0 : i32
      %dma_wait3A_124 = tpu.memref_slice %arg4[%add3A_56, %dma_wait3A_122, %dma_wait3A_123] : memref<4096x8x768xf32, #tpu.memory_space<hbm>> -> memref<16x8x768xf32, #tpu.memory_space<hbm>>
      tpu.wait_dma2 semaphore(%run_scoped3A : memref<!tpu.dma_semaphore, #tpu.memory_space<semaphore_mem>>) src(%arg6 : memref<16x8x768xf32, #tpu.memory_space<vmem>>) dst(%dma_wait3A_124 : memref<16x8x768xf32, #tpu.memory_space<hbm>>)
      tpu.yield
    }) : () -> ()
    %dma_start3A_57 = arith.constant 64 : i32
    %dma_start3A_58 = tpu.memref_slice %arg5[%dma_start3A_57] : memref<128xi32, #tpu.memory_space<vmem>> -> memref<16xi32, #tpu.memory_space<vmem>>
    %dma_start3A_59 = arith.constant 0 : i32
    %dma_start3A_60 = arith.constant 0 : i32
    %dma_start3A_61 = arith.constant 0 : i32
    %dma_start3A_62 = tpu.memref_slice %arg2[%dma_start3A_59, %dma_start3A_60, %dma_start3A_61] : memref<4096x8x768xf32, #tpu.memory_space<hbm>> -> memref<4096x8x768xf32, #tpu.memory_space<hbm>>
    tpu.enqueue_indirect_dma source(%dma_start3A_62 : memref<4096x8x768xf32, #tpu.memory_space<hbm>>) target(%arg6 : memref<16x8x768xf32, #tpu.memory_space<vmem>>) offsets(%dma_start3A_58 : memref<16xi32, #tpu.memory_space<vmem>>) semaphore(%arg7 : memref<!tpu.dma_semaphore, #tpu.memory_space<semaphore_mem>>)
    %dma_wait3A_63 = arith.constant 64 : i32
    %dma_wait3A_64 = tpu.memref_slice %arg5[%dma_wait3A_63] : memref<128xi32, #tpu.memory_space<vmem>> -> memref<16xi32, #tpu.memory_space<vmem>>
    %dma_wait3A_65 = arith.constant 0 : i32
    %dma_wait3A_66 = arith.constant 0 : i32
    %dma_wait3A_67 = arith.constant 0 : i32
    %dma_wait3A_68 = tpu.memref_slice %arg2[%dma_wait3A_65, %dma_wait3A_66, %dma_wait3A_67] : memref<4096x8x768xf32, #tpu.memory_space<hbm>> -> memref<4096x8x768xf32, #tpu.memory_space<hbm>>
    tpu.wait_indirect_dma semaphore(%arg7 : memref<!tpu.dma_semaphore, #tpu.memory_space<semaphore_mem>>) src(%dma_wait3A_68 : memref<4096x8x768xf32, #tpu.memory_space<hbm>>) dst(%arg6 : memref<16x8x768xf32, #tpu.memory_space<vmem>>)
    %add3A_69 = arith.constant 64 : i32
    %add3A_70 = arith.addi %mul3A_2, %add3A_69 : i32
    "tpu.region"() ({
      %run_scoped3A = tpu.sem_alloc : memref<!tpu.dma_semaphore, #tpu.memory_space<semaphore_mem>>
      %dma_start3A_113 = arith.constant 0 : i32
      %dma_start3A_114 = arith.constant 0 : i32
      %dma_start3A_115 = tpu.memref_slice %arg4[%add3A_70, %dma_start3A_113, %dma_start3A_114] : memref<4096x8x768xf32, #tpu.memory_space<hbm>> -> memref<16x8x768xf32, #tpu.memory_space<hbm>>
      %dma_start3A_116 = arith.constant 0 : i32
      %dma_start3A_117 = arith.constant 0 : i32
      %dma_start3A_118 = tpu.memref_slice %arg4[%add3A_70, %dma_start3A_116, %dma_start3A_117] : memref<4096x8x768xf32, #tpu.memory_space<hbm>> -> memref<16x8x768xf32, #tpu.memory_space<hbm>>
      tpu.enqueue_dma source(%arg6 : memref<16x8x768xf32, #tpu.memory_space<vmem>>) target(%dma_start3A_118 : memref<16x8x768xf32, #tpu.memory_space<hbm>>) target_semaphore(%run_scoped3A : memref<!tpu.dma_semaphore, #tpu.memory_space<semaphore_mem>>)
      %dma_wait3A_119 = arith.constant 0 : i32
      %dma_wait3A_120 = arith.constant 0 : i32
      %dma_wait3A_121 = tpu.memref_slice %arg4[%add3A_70, %dma_wait3A_119, %dma_wait3A_120] : memref<4096x8x768xf32, #tpu.memory_space<hbm>> -> memref<16x8x768xf32, #tpu.memory_space<hbm>>
      %dma_wait3A_122 = arith.constant 0 : i32
      %dma_wait3A_123 = arith.constant 0 : i32
      %dma_wait3A_124 = tpu.memref_slice %arg4[%add3A_70, %dma_wait3A_122, %dma_wait3A_123] : memref<4096x8x768xf32, #tpu.memory_space<hbm>> -> memref<16x8x768xf32, #tpu.memory_space<hbm>>
      tpu.wait_dma2 semaphore(%run_scoped3A : memref<!tpu.dma_semaphore, #tpu.memory_space<semaphore_mem>>) src(%arg6 : memref<16x8x768xf32, #tpu.memory_space<vmem>>) dst(%dma_wait3A_124 : memref<16x8x768xf32, #tpu.memory_space<hbm>>)
      tpu.yield
    }) : () -> ()
    %dma_start3A_71 = arith.constant 80 : i32
    %dma_start3A_72 = tpu.memref_slice %arg5[%dma_start3A_71] : memref<128xi32, #tpu.memory_space<vmem>> -> memref<16xi32, #tpu.memory_space<vmem>>
    %dma_start3A_73 = arith.constant 0 : i32
    %dma_start3A_74 = arith.constant 0 : i32
    %dma_start3A_75 = arith.constant 0 : i32
    %dma_start3A_76 = tpu.memref_slice %arg2[%dma_start3A_73, %dma_start3A_74, %dma_start3A_75] : memref<4096x8x768xf32, #tpu.memory_space<hbm>> -> memref<4096x8x768xf32, #tpu.memory_space<hbm>>
    tpu.enqueue_indirect_dma source(%dma_start3A_76 : memref<4096x8x768xf32, #tpu.memory_space<hbm>>) target(%arg6 : memref<16x8x768xf32, #tpu.memory_space<vmem>>) offsets(%dma_start3A_72 : memref<16xi32, #tpu.memory_space<vmem>>) semaphore(%arg7 : memref<!tpu.dma_semaphore, #tpu.memory_space<semaphore_mem>>)
    %dma_wait3A_77 = arith.constant 80 : i32
    %dma_wait3A_78 = tpu.memref_slice %arg5[%dma_wait3A_77] : memref<128xi32, #tpu.memory_space<vmem>> -> memref<16xi32, #tpu.memory_space<vmem>>
    %dma_wait3A_79 = arith.constant 0 : i32
    %dma_wait3A_80 = arith.constant 0 : i32
    %dma_wait3A_81 = arith.constant 0 : i32
    %dma_wait3A_82 = tpu.memref_slice %arg2[%dma_wait3A_79, %dma_wait3A_80, %dma_wait3A_81] : memref<4096x8x768xf32, #tpu.memory_space<hbm>> -> memref<4096x8x768xf32, #tpu.memory_space<hbm>>
    tpu.wait_indirect_dma semaphore(%arg7 : memref<!tpu.dma_semaphore, #tpu.memory_space<semaphore_mem>>) src(%dma_wait3A_82 : memref<4096x8x768xf32, #tpu.memory_space<hbm>>) dst(%arg6 : memref<16x8x768xf32, #tpu.memory_space<vmem>>)
    %add3A_83 = arith.constant 80 : i32
    %add3A_84 = arith.addi %mul3A_2, %add3A_83 : i32
    "tpu.region"() ({
      %run_scoped3A = tpu.sem_alloc : memref<!tpu.dma_semaphore, #tpu.memory_space<semaphore_mem>>
      %dma_start3A_113 = arith.constant 0 : i32
      %dma_start3A_114 = arith.constant 0 : i32
      %dma_start3A_115 = tpu.memref_slice %arg4[%add3A_84, %dma_start3A_113, %dma_start3A_114] : memref<4096x8x768xf32, #tpu.memory_space<hbm>> -> memref<16x8x768xf32, #tpu.memory_space<hbm>>
      %dma_start3A_116 = arith.constant 0 : i32
      %dma_start3A_117 = arith.constant 0 : i32
      %dma_start3A_118 = tpu.memref_slice %arg4[%add3A_84, %dma_start3A_116, %dma_start3A_117] : memref<4096x8x768xf32, #tpu.memory_space<hbm>> -> memref<16x8x768xf32, #tpu.memory_space<hbm>>
      tpu.enqueue_dma source(%arg6 : memref<16x8x768xf32, #tpu.memory_space<vmem>>) target(%dma_start3A_118 : memref<16x8x768xf32, #tpu.memory_space<hbm>>) target_semaphore(%run_scoped3A : memref<!tpu.dma_semaphore, #tpu.memory_space<semaphore_mem>>)
      %dma_wait3A_119 = arith.constant 0 : i32
      %dma_wait3A_120 = arith.constant 0 : i32
      %dma_wait3A_121 = tpu.memref_slice %arg4[%add3A_84, %dma_wait3A_119, %dma_wait3A_120] : memref<4096x8x768xf32, #tpu.memory_space<hbm>> -> memref<16x8x768xf32, #tpu.memory_space<hbm>>
      %dma_wait3A_122 = arith.constant 0 : i32
      %dma_wait3A_123 = arith.constant 0 : i32
      %dma_wait3A_124 = tpu.memref_slice %arg4[%add3A_84, %dma_wait3A_122, %dma_wait3A_123] : memref<4096x8x768xf32, #tpu.memory_space<hbm>> -> memref<16x8x768xf32, #tpu.memory_space<hbm>>
      tpu.wait_dma2 semaphore(%run_scoped3A : memref<!tpu.dma_semaphore, #tpu.memory_space<semaphore_mem>>) src(%arg6 : memref<16x8x768xf32, #tpu.memory_space<vmem>>) dst(%dma_wait3A_124 : memref<16x8x768xf32, #tpu.memory_space<hbm>>)
      tpu.yield
    }) : () -> ()
    %dma_start3A_85 = arith.constant 96 : i32
    %dma_start3A_86 = tpu.memref_slice %arg5[%dma_start3A_85] : memref<128xi32, #tpu.memory_space<vmem>> -> memref<16xi32, #tpu.memory_space<vmem>>
    %dma_start3A_87 = arith.constant 0 : i32
    %dma_start3A_88 = arith.constant 0 : i32
    %dma_start3A_89 = arith.constant 0 : i32
    %dma_start3A_90 = tpu.memref_slice %arg2[%dma_start3A_87, %dma_start3A_88, %dma_start3A_89] : memref<4096x8x768xf32, #tpu.memory_space<hbm>> -> memref<4096x8x768xf32, #tpu.memory_space<hbm>>
    tpu.enqueue_indirect_dma source(%dma_start3A_90 : memref<4096x8x768xf32, #tpu.memory_space<hbm>>) target(%arg6 : memref<16x8x768xf32, #tpu.memory_space<vmem>>) offsets(%dma_start3A_86 : memref<16xi32, #tpu.memory_space<vmem>>) semaphore(%arg7 : memref<!tpu.dma_semaphore, #tpu.memory_space<semaphore_mem>>)
    %dma_wait3A_91 = arith.constant 96 : i32
    %dma_wait3A_92 = tpu.memref_slice %arg5[%dma_wait3A_91] : memref<128xi32, #tpu.memory_space<vmem>> -> memref<16xi32, #tpu.memory_space<vmem>>
    %dma_wait3A_93 = arith.constant 0 : i32
    %dma_wait3A_94 = arith.constant 0 : i32
    %dma_wait3A_95 = arith.constant 0 : i32
    %dma_wait3A_96 = tpu.memref_slice %arg2[%dma_wait3A_93, %dma_wait3A_94, %dma_wait3A_95] : memref<4096x8x768xf32, #tpu.memory_space<hbm>> -> memref<4096x8x768xf32, #tpu.memory_space<hbm>>
    tpu.wait_indirect_dma semaphore(%arg7 : memref<!tpu.dma_semaphore, #tpu.memory_space<semaphore_mem>>) src(%dma_wait3A_96 : memref<4096x8x768xf32, #tpu.memory_space<hbm>>) dst(%arg6 : memref<16x8x768xf32, #tpu.memory_space<vmem>>)
    %add3A_97 = arith.constant 96 : i32
    %add3A_98 = arith.addi %mul3A_2, %add3A_97 : i32
    "tpu.region"() ({
      %run_scoped3A = tpu.sem_alloc : memref<!tpu.dma_semaphore, #tpu.memory_space<semaphore_mem>>
      %dma_start3A_113 = arith.constant 0 : i32
      %dma_start3A_114 = arith.constant 0 : i32
      %dma_start3A_115 = tpu.memref_slice %arg4[%add3A_98, %dma_start3A_113, %dma_start3A_114] : memref<4096x8x768xf32, #tpu.memory_space<hbm>> -> memref<16x8x768xf32, #tpu.memory_space<hbm>>
      %dma_start3A_116 = arith.constant 0 : i32
      %dma_start3A_117 = arith.constant 0 : i32
      %dma_start3A_118 = tpu.memref_slice %arg4[%add3A_98, %dma_start3A_116, %dma_start3A_117] : memref<4096x8x768xf32, #tpu.memory_space<hbm>> -> memref<16x8x768xf32, #tpu.memory_space<hbm>>
      tpu.enqueue_dma source(%arg6 : memref<16x8x768xf32, #tpu.memory_space<vmem>>) target(%dma_start3A_118 : memref<16x8x768xf32, #tpu.memory_space<hbm>>) target_semaphore(%run_scoped3A : memref<!tpu.dma_semaphore, #tpu.memory_space<semaphore_mem>>)
      %dma_wait3A_119 = arith.constant 0 : i32
      %dma_wait3A_120 = arith.constant 0 : i32
      %dma_wait3A_121 = tpu.memref_slice %arg4[%add3A_98, %dma_wait3A_119, %dma_wait3A_120] : memref<4096x8x768xf32, #tpu.memory_space<hbm>> -> memref<16x8x768xf32, #tpu.memory_space<hbm>>
      %dma_wait3A_122 = arith.constant 0 : i32
      %dma_wait3A_123 = arith.constant 0 : i32
      %dma_wait3A_124 = tpu.memref_slice %arg4[%add3A_98, %dma_wait3A_122, %dma_wait3A_123] : memref<4096x8x768xf32, #tpu.memory_space<hbm>> -> memref<16x8x768xf32, #tpu.memory_space<hbm>>
      tpu.wait_dma2 semaphore(%run_scoped3A : memref<!tpu.dma_semaphore, #tpu.memory_space<semaphore_mem>>) src(%arg6 : memref<16x8x768xf32, #tpu.memory_space<vmem>>) dst(%dma_wait3A_124 : memref<16x8x768xf32, #tpu.memory_space<hbm>>)
      tpu.yield
    }) : () -> ()
    %dma_start3A_99 = arith.constant 112 : i32
    %dma_start3A_100 = tpu.memref_slice %arg5[%dma_start3A_99] : memref<128xi32, #tpu.memory_space<vmem>> -> memref<16xi32, #tpu.memory_space<vmem>>
    %dma_start3A_101 = arith.constant 0 : i32
    %dma_start3A_102 = arith.constant 0 : i32
    %dma_start3A_103 = arith.constant 0 : i32
    %dma_start3A_104 = tpu.memref_slice %arg2[%dma_start3A_101, %dma_start3A_102, %dma_start3A_103] : memref<4096x8x768xf32, #tpu.memory_space<hbm>> -> memref<4096x8x768xf32, #tpu.memory_space<hbm>>
    tpu.enqueue_indirect_dma source(%dma_start3A_104 : memref<4096x8x768xf32, #tpu.memory_space<hbm>>) target(%arg6 : memref<16x8x768xf32, #tpu.memory_space<vmem>>) offsets(%dma_start3A_100 : memref<16xi32, #tpu.memory_space<vmem>>) semaphore(%arg7 : memref<!tpu.dma_semaphore, #tpu.memory_space<semaphore_mem>>)
    %dma_wait3A_105 = arith.constant 112 : i32
    %dma_wait3A_106 = tpu.memref_slice %arg5[%dma_wait3A_105] : memref<128xi32, #tpu.memory_space<vmem>> -> memref<16xi32, #tpu.memory_space<vmem>>
    %dma_wait3A_107 = arith.constant 0 : i32
    %dma_wait3A_108 = arith.constant 0 : i32
    %dma_wait3A_109 = arith.constant 0 : i32
    %dma_wait3A_110 = tpu.memref_slice %arg2[%dma_wait3A_107, %dma_wait3A_108, %dma_wait3A_109] : memref<4096x8x768xf32, #tpu.memory_space<hbm>> -> memref<4096x8x768xf32, #tpu.memory_space<hbm>>
    tpu.wait_indirect_dma semaphore(%arg7 : memref<!tpu.dma_semaphore, #tpu.memory_space<semaphore_mem>>) src(%dma_wait3A_110 : memref<4096x8x768xf32, #tpu.memory_space<hbm>>) dst(%arg6 : memref<16x8x768xf32, #tpu.memory_space<vmem>>)
    %add3A_111 = arith.constant 112 : i32
    %add3A_112 = arith.addi %mul3A_2, %add3A_111 : i32
    "tpu.region"() ({
      %run_scoped3A = tpu.sem_alloc : memref<!tpu.dma_semaphore, #tpu.memory_space<semaphore_mem>>
      %dma_start3A_113 = arith.constant 0 : i32
      %dma_start3A_114 = arith.constant 0 : i32
      %dma_start3A_115 = tpu.memref_slice %arg4[%add3A_112, %dma_start3A_113, %dma_start3A_114] : memref<4096x8x768xf32, #tpu.memory_space<hbm>> -> memref<16x8x768xf32, #tpu.memory_space<hbm>>
      %dma_start3A_116 = arith.constant 0 : i32
      %dma_start3A_117 = arith.constant 0 : i32
      %dma_start3A_118 = tpu.memref_slice %arg4[%add3A_112, %dma_start3A_116, %dma_start3A_117] : memref<4096x8x768xf32, #tpu.memory_space<hbm>> -> memref<16x8x768xf32, #tpu.memory_space<hbm>>
      tpu.enqueue_dma source(%arg6 : memref<16x8x768xf32, #tpu.memory_space<vmem>>) target(%dma_start3A_118 : memref<16x8x768xf32, #tpu.memory_space<hbm>>) target_semaphore(%run_scoped3A : memref<!tpu.dma_semaphore, #tpu.memory_space<semaphore_mem>>)
      %dma_wait3A_119 = arith.constant 0 : i32
      %dma_wait3A_120 = arith.constant 0 : i32
      %dma_wait3A_121 = tpu.memref_slice %arg4[%add3A_112, %dma_wait3A_119, %dma_wait3A_120] : memref<4096x8x768xf32, #tpu.memory_space<hbm>> -> memref<16x8x768xf32, #tpu.memory_space<hbm>>
      %dma_wait3A_122 = arith.constant 0 : i32
      %dma_wait3A_123 = arith.constant 0 : i32
      %dma_wait3A_124 = tpu.memref_slice %arg4[%add3A_112, %dma_wait3A_122, %dma_wait3A_123] : memref<4096x8x768xf32, #tpu.memory_space<hbm>> -> memref<16x8x768xf32, #tpu.memory_space<hbm>>
      tpu.wait_dma2 semaphore(%run_scoped3A : memref<!tpu.dma_semaphore, #tpu.memory_space<semaphore_mem>>) src(%arg6 : memref<16x8x768xf32, #tpu.memory_space<vmem>>) dst(%dma_wait3A_124 : memref<16x8x768xf32, #tpu.memory_space<hbm>>)
      tpu.yield
    }) : () -> ()
    return
  }
}

module attributes {stable_mosaic.version = 14 : i64} {
  func.func @_topk_body(%arg0: i32, %arg1: memref<512x768xf32, #tpu.memory_space<vmem>>, %arg2: memref<1024x768xf32, #tpu.memory_space<vmem>>, %arg3: memref<512x1xf32, #tpu.memory_space<vmem>>, %arg4: memref<1x1024xf32, #tpu.memory_space<vmem>>, %arg5: memref<512x8xf32, #tpu.memory_space<vmem>>, %arg6: memref<512x8xi32, #tpu.memory_space<vmem>>, %arg7: memref<512x4096xf32, #tpu.memory_space<vmem>>) attributes {dimension_semantics = [#tpu.dimension_semantics<arbitrary>], iteration_bounds = array<i64: 4>, scalar_prefetch = 0 : i64, scratch_operands = 1 : i64, tpu.core_type = #tpu.core_type<tc>, window_params = [{pipeline_mode = #tpu.pipeline_mode<synchronous>, transform_indices = @transform_0, window_bounds = array<i64: 512, 768>}, {transform_indices = @transform_1, window_bounds = array<i64: 1024, 768>}, {pipeline_mode = #tpu.pipeline_mode<synchronous>, transform_indices = @transform_2, window_bounds = array<i64: 512, 1>}, {transform_indices = @transform_3, window_bounds = array<i64: 1, 1024>}, {pipeline_mode = #tpu.pipeline_mode<synchronous>, transform_indices = @transform_4, window_bounds = array<i64: 512, 8>}, {pipeline_mode = #tpu.pipeline_mode<synchronous>, transform_indices = @transform_5, window_bounds = array<i64: 512, 8>}]} {
    %get3A = arith.constant 0 : index
    %get3A_0 = arith.constant 0 : index
    %get3A_1 = vector.load %arg1[%get3A, %get3A_0] : memref<512x768xf32, #tpu.memory_space<vmem>>, vector<512x768xf32>
    %get3A_2 = arith.constant 0 : index
    %get3A_3 = arith.constant 0 : index
    %get3A_4 = vector.load %arg2[%get3A_2, %get3A_3] : memref<1024x768xf32, #tpu.memory_space<vmem>>, vector<1024x768xf32>
    %dot_general3A = arith.constant dense<0.000000e+00> : vector<512x1024xf32>
    %dot_general3A_5 = tpu.matmul %get3A_1, %get3A_4, %dot_general3A {dimension_numbers = #tpu.dot_dimension_numbers<[1], [1], [0], [0], [0, 0, 1, 0], [], []>, transpose_lhs_hint = false} : vector<512x768xf32>, vector<1024x768xf32>, vector<512x1024xf32> -> vector<512x1024xf32>
    %get3A_6 = arith.constant 0 : index
    %get3A_7 = arith.constant 0 : index
    %get3A_8 = vector.load %arg3[%get3A_6, %get3A_7] : memref<512x1xf32, #tpu.memory_space<vmem>>, vector<512x1xf32>
    %get3A_9 = arith.constant 0 : index
    %get3A_10 = arith.constant 0 : index
    %get3A_11 = vector.load %arg4[%get3A_9, %get3A_10] : memref<1x1024xf32, #tpu.memory_space<vmem>>, vector<1x1024xf32>
    %mul3A = vector.broadcast %get3A_8 : vector<512x1xf32> to vector<512x1024xf32>
    %mul3A_12 = vector.broadcast %get3A_11 : vector<1x1024xf32> to vector<512x1024xf32>
    %mul3A_13 = arith.mulf %mul3A, %mul3A_12 : vector<512x1024xf32>
    %div3A = arith.divf %dot_general3A_5, %mul3A_13 : vector<512x1024xf32>
    %sub3A = arith.constant 1.000000e+00 : f32
    %sub3A_14 = vector.broadcast %sub3A : f32 to vector<512x1024xf32>
    %sub3A_15 = arith.subf %sub3A_14, %div3A : vector<512x1024xf32>
    %eq3A = arith.constant 0 : i32
    %eq3A_16 = arith.cmpi eq, %arg0, %eq3A : i32
    %convert_element_type3A = arith.extui %eq3A_16 : i1 to i32
    %cond3A = arith.constant 0 : i32
    %cond3A_17 = arith.cmpi ne, %convert_element_type3A, %cond3A : i32
    scf.if %cond3A_17 {
      %swap3A = arith.constant 0 : index
      %swap3A_38 = arith.constant 0 : index
      %swap3A_39 = vector.load %arg7[%swap3A, %swap3A_38] : memref<512x4096xf32, #tpu.memory_space<vmem>>, vector<512x1024xf32>
      tpu.vector_store %arg7[%swap3A, %swap3A_38], %sub3A_15 {strides = array<i32>} : memref<512x4096xf32, #tpu.memory_space<vmem>>, vector<512x1024xf32>,
    } else {
    }
    %eq3A_18 = arith.constant 1 : i32
    %eq3A_19 = arith.cmpi eq, %arg0, %eq3A_18 : i32
    %convert_element_type3A_20 = arith.extui %eq3A_19 : i1 to i32
    %cond3A_21 = arith.constant 0 : i32
    %cond3A_22 = arith.cmpi ne, %convert_element_type3A_20, %cond3A_21 : i32
    scf.if %cond3A_22 {
      %swap3A = arith.constant 0 : index
      %swap3A_38 = arith.constant 1024 : index
      %swap3A_39 = vector.load %arg7[%swap3A, %swap3A_38] : memref<512x4096xf32, #tpu.memory_space<vmem>>, vector<512x1024xf32>
      tpu.vector_store %arg7[%swap3A, %swap3A_38], %sub3A_15 {strides = array<i32>} : memref<512x4096xf32, #tpu.memory_space<vmem>>, vector<512x1024xf32>,
    } else {
    }
    %eq3A_23 = arith.constant 2 : i32
    %eq3A_24 = arith.cmpi eq, %arg0, %eq3A_23 : i32
    %convert_element_type3A_25 = arith.extui %eq3A_24 : i1 to i32
    %cond3A_26 = arith.constant 0 : i32
    %cond3A_27 = arith.cmpi ne, %convert_element_type3A_25, %cond3A_26 : i32
    scf.if %cond3A_27 {
      %swap3A = arith.constant 0 : index
      %swap3A_38 = arith.constant 2048 : index
      %swap3A_39 = vector.load %arg7[%swap3A, %swap3A_38] : memref<512x4096xf32, #tpu.memory_space<vmem>>, vector<512x1024xf32>
      tpu.vector_store %arg7[%swap3A, %swap3A_38], %sub3A_15 {strides = array<i32>} : memref<512x4096xf32, #tpu.memory_space<vmem>>, vector<512x1024xf32>,
    } else {
    }
    %eq3A_28 = arith.constant 3 : i32
    %eq3A_29 = arith.cmpi eq, %arg0, %eq3A_28 : i32
    %convert_element_type3A_30 = arith.extui %eq3A_29 : i1 to i32
    %cond3A_31 = arith.constant 0 : i32
    %cond3A_32 = arith.cmpi ne, %convert_element_type3A_30, %cond3A_31 : i32
    scf.if %cond3A_32 {
      %swap3A = arith.constant 0 : index
      %swap3A_38 = arith.constant 3072 : index
      %swap3A_39 = vector.load %arg7[%swap3A, %swap3A_38] : memref<512x4096xf32, #tpu.memory_space<vmem>>, vector<512x1024xf32>
      tpu.vector_store %arg7[%swap3A, %swap3A_38], %sub3A_15 {strides = array<i32>} : memref<512x4096xf32, #tpu.memory_space<vmem>>, vector<512x1024xf32>,
    } else {
    }
    %eq3A_33 = arith.constant 3 : i32
    %eq3A_34 = arith.cmpi eq, %arg0, %eq3A_33 : i32
    %convert_element_type3A_35 = arith.extui %eq3A_34 : i1 to i32
    %cond3A_36 = arith.constant 0 : i32
    %cond3A_37 = arith.cmpi ne, %convert_element_type3A_35, %cond3A_36 : i32
    scf.if %cond3A_37 {
      %iota3A = tpu.iota {dimensions = array<i32: 1>} : vector<512x128xi32>
      %convert_element_type3A_38 = arith.sitofp %iota3A : vector<512x128xi32> to vector<512x128xf32>
      %broadcast_in_dim3A = arith.constant 0x7F800000 : f32
      %broadcast_in_dim3A_39 = vector.broadcast %broadcast_in_dim3A : f32 to vector<512x128xf32>
      %broadcast_in_dim3A_40 = arith.constant 4.096000e+03 : f32
      %broadcast_in_dim3A_41 = vector.broadcast %broadcast_in_dim3A_40 : f32 to vector<512x128xf32>
      %broadcast_in_dim3A_42 = arith.constant 0x7F800000 : f32
      %broadcast_in_dim3A_43 = vector.broadcast %broadcast_in_dim3A_42 : f32 to vector<512x128xf32>
      %get3A_44 = arith.constant 0 : index
      %get3A_45 = arith.constant 0 : index
      %get3A_46 = vector.load %arg7[%get3A_44, %get3A_45] : memref<512x4096xf32, #tpu.memory_space<vmem>>, vector<512x128xf32>
      %add3A = arith.constant 0.000000e+00 : f32
      %add3A_47 = vector.broadcast %add3A : f32 to vector<512x128xf32>
      %add3A_48 = arith.addf %convert_element_type3A_38, %add3A_47 : vector<512x128xf32>
      %lt3A = arith.cmpf olt, %get3A_46, %broadcast_in_dim3A_39 : vector<512x128xf32>
      %select_n3A = arith.select %lt3A, %broadcast_in_dim3A_39, %get3A_46 : vector<512x128xi1>, vector<512x128xf32>
      %select_n3A_49 = arith.select %lt3A, %broadcast_in_dim3A_41, %add3A_48 : vector<512x128xi1>, vector<512x128xf32>
      %select_n3A_50 = arith.select %lt3A, %get3A_46, %broadcast_in_dim3A_39 : vector<512x128xi1>, vector<512x128xf32>
      %select_n3A_51 = arith.select %lt3A, %add3A_48, %broadcast_in_dim3A_41 : vector<512x128xi1>, vector<512x128xf32>
      %lt3A_52 = arith.cmpf olt, %select_n3A, %broadcast_in_dim3A_39 : vector<512x128xf32>
      %select_n3A_53 = arith.select %lt3A_52, %broadcast_in_dim3A_39, %select_n3A : vector<512x128xi1>, vector<512x128xf32>
      %select_n3A_54 = arith.select %lt3A_52, %broadcast_in_dim3A_41, %select_n3A_49 : vector<512x128xi1>, vector<512x128xf32>
      %select_n3A_55 = arith.select %lt3A_52, %select_n3A, %broadcast_in_dim3A_39 : vector<512x128xi1>, vector<512x128xf32>
      %select_n3A_56 = arith.select %lt3A_52, %select_n3A_49, %broadcast_in_dim3A_41 : vector<512x128xi1>, vector<512x128xf32>
      %lt3A_57 = arith.cmpf olt, %select_n3A_53, %broadcast_in_dim3A_39 : vector<512x128xf32>
      %select_n3A_58 = arith.select %lt3A_57, %broadcast_in_dim3A_39, %select_n3A_53 : vector<512x128xi1>, vector<512x128xf32>
      %select_n3A_59 = arith.select %lt3A_57, %select_n3A_53, %broadcast_in_dim3A_39 : vector<512x128xi1>, vector<512x128xf32>
      %select_n3A_60 = arith.select %lt3A_57, %select_n3A_54, %broadcast_in_dim3A_41 : vector<512x128xi1>, vector<512x128xf32>
      %min3A = arith.minimumf %broadcast_in_dim3A_43, %select_n3A_58 : vector<512x128xf32>
      %get3A_61 = arith.constant 0 : index
      %get3A_62 = arith.constant 128 : index
      %get3A_63 = vector.load %arg7[%get3A_61, %get3A_62] : memref<512x4096xf32, #tpu.memory_space<vmem>>, vector<512x128xf32>
      %add3A_64 = arith.constant 1.280000e+02 : f32
      %add3A_65 = vector.broadcast %add3A_64 : f32 to vector<512x128xf32>
      %add3A_66 = arith.addf %convert_element_type3A_38, %add3A_65 : vector<512x128xf32>
      %lt3A_67 = arith.cmpf olt, %get3A_63, %select_n3A_50 : vector<512x128xf32>
      %select_n3A_68 = arith.select %lt3A_67, %select_n3A_50, %get3A_63 : vector<512x128xi1>, vector<512x128xf32>
      %select_n3A_69 = arith.select %lt3A_67, %select_n3A_51, %add3A_66 : vector<512x128xi1>, vector<512x128xf32>
      %select_n3A_70 = arith.select %lt3A_67, %get3A_63, %select_n3A_50 : vector<512x128xi1>, vector<512x128xf32>
      %select_n3A_71 = arith.select %lt3A_67, %add3A_66, %select_n3A_51 : vector<512x128xi1>, vector<512x128xf32>
      %lt3A_72 = arith.cmpf olt, %select_n3A_68, %select_n3A_55 : vector<512x128xf32>
      %select_n3A_73 = arith.select %lt3A_72, %select_n3A_55, %select_n3A_68 : vector<512x128xi1>, vector<512x128xf32>
      %select_n3A_74 = arith.select %lt3A_72, %select_n3A_56, %select_n3A_69 : vector<512x128xi1>, vector<512x128xf32>
      %select_n3A_75 = arith.select %lt3A_72, %select_n3A_68, %select_n3A_55 : vector<512x128xi1>, vector<512x128xf32>
      %select_n3A_76 = arith.select %lt3A_72, %select_n3A_69, %select_n3A_56 : vector<512x128xi1>, vector<512x128xf32>
      %lt3A_77 = arith.cmpf olt, %select_n3A_73, %select_n3A_59 : vector<512x128xf32>
      %select_n3A_78 = arith.select %lt3A_77, %select_n3A_59, %select_n3A_73 : vector<512x128xi1>, vector<512x128xf32>
      %select_n3A_79 = arith.select %lt3A_77, %select_n3A_73, %select_n3A_59 : vector<512x128xi1>, vector<512x128xf32>
      %select_n3A_80 = arith.select %lt3A_77, %select_n3A_74, %select_n3A_60 : vector<512x128xi1>, vector<512x128xf32>
      %min3A_81 = arith.minimumf %min3A, %select_n3A_78 : vector<512x128xf32>
      %get3A_82 = arith.constant 0 : index
      %get3A_83 = arith.constant 256 : index
      %get3A_84 = vector.load %arg7[%get3A_82, %get3A_83] : memref<512x4096xf32, #tpu.memory_space<vmem>>, vector<512x128xf32>
      %add3A_85 = arith.constant 2.560000e+02 : f32
      %add3A_86 = vector.broadcast %add3A_85 : f32 to vector<512x128xf32>
      %add3A_87 = arith.addf %convert_element_type3A_38, %add3A_86 : vector<512x128xf32>
      %lt3A_88 = arith.cmpf olt, %get3A_84, %select_n3A_70 : vector<512x128xf32>
      %select_n3A_89 = arith.select %lt3A_88, %select_n3A_70, %get3A_84 : vector<512x128xi1>, vector<512x128xf32>
      %select_n3A_90 = arith.select %lt3A_88, %select_n3A_71, %add3A_87 : vector<512x128xi1>, vector<512x128xf32>
      %select_n3A_91 = arith.select %lt3A_88, %get3A_84, %select_n3A_70 : vector<512x128xi1>, vector<512x128xf32>
      %select_n3A_92 = arith.select %lt3A_88, %add3A_87, %select_n3A_71 : vector<512x128xi1>, vector<512x128xf32>
      %lt3A_93 = arith.cmpf olt, %select_n3A_89, %select_n3A_75 : vector<512x128xf32>
      %select_n3A_94 = arith.select %lt3A_93, %select_n3A_75, %select_n3A_89 : vector<512x128xi1>, vector<512x128xf32>
      %select_n3A_95 = arith.select %lt3A_93, %select_n3A_76, %select_n3A_90 : vector<512x128xi1>, vector<512x128xf32>
      %select_n3A_96 = arith.select %lt3A_93, %select_n3A_89, %select_n3A_75 : vector<512x128xi1>, vector<512x128xf32>
      %select_n3A_97 = arith.select %lt3A_93, %select_n3A_90, %select_n3A_76 : vector<512x128xi1>, vector<512x128xf32>
      %lt3A_98 = arith.cmpf olt, %select_n3A_94, %select_n3A_79 : vector<512x128xf32>
      %select_n3A_99 = arith.select %lt3A_98, %select_n3A_79, %select_n3A_94 : vector<512x128xi1>, vector<512x128xf32>
      %select_n3A_100 = arith.select %lt3A_98, %select_n3A_94, %select_n3A_79 : vector<512x128xi1>, vector<512x128xf32>
      %select_n3A_101 = arith.select %lt3A_98, %select_n3A_95, %select_n3A_80 : vector<512x128xi1>, vector<512x128xf32>
      %min3A_102 = arith.minimumf %min3A_81, %select_n3A_99 : vector<512x128xf32>
      %get3A_103 = arith.constant 0 : index
      %get3A_104 = arith.constant 384 : index
      %get3A_105 = vector.load %arg7[%get3A_103, %get3A_104] : memref<512x4096xf32, #tpu.memory_space<vmem>>, vector<512x128xf32>
      %add3A_106 = arith.constant 3.840000e+02 : f32
      %add3A_107 = vector.broadcast %add3A_106 : f32 to vector<512x128xf32>
      %add3A_108 = arith.addf %convert_element_type3A_38, %add3A_107 : vector<512x128xf32>
      %lt3A_109 = arith.cmpf olt, %get3A_105, %select_n3A_91 : vector<512x128xf32>
      %select_n3A_110 = arith.select %lt3A_109, %select_n3A_91, %get3A_105 : vector<512x128xi1>, vector<512x128xf32>
      %select_n3A_111 = arith.select %lt3A_109, %select_n3A_92, %add3A_108 : vector<512x128xi1>, vector<512x128xf32>
      %select_n3A_112 = arith.select %lt3A_109, %get3A_105, %select_n3A_91 : vector<512x128xi1>, vector<512x128xf32>
      %select_n3A_113 = arith.select %lt3A_109, %add3A_108, %select_n3A_92 : vector<512x128xi1>, vector<512x128xf32>
      %lt3A_114 = arith.cmpf olt, %select_n3A_110, %select_n3A_96 : vector<512x128xf32>
      %select_n3A_115 = arith.select %lt3A_114, %select_n3A_96, %select_n3A_110 : vector<512x128xi1>, vector<512x128xf32>
      %select_n3A_116 = arith.select %lt3A_114, %select_n3A_97, %select_n3A_111 : vector<512x128xi1>, vector<512x128xf32>
      %select_n3A_117 = arith.select %lt3A_114, %select_n3A_110, %select_n3A_96 : vector<512x128xi1>, vector<512x128xf32>
      %select_n3A_118 = arith.select %lt3A_114, %select_n3A_111, %select_n3A_97 : vector<512x128xi1>, vector<512x128xf32>
      %lt3A_119 = arith.cmpf olt, %select_n3A_115, %select_n3A_100 : vector<512x128xf32>
      %select_n3A_120 = arith.select %lt3A_119, %select_n3A_100, %select_n3A_115 : vector<512x128xi1>, vector<512x128xf32>
      %select_n3A_121 = arith.select %lt3A_119, %select_n3A_115, %select_n3A_100 : vector<512x128xi1>, vector<512x128xf32>
      %select_n3A_122 = arith.select %lt3A_119, %select_n3A_116, %select_n3A_101 : vector<512x128xi1>, vector<512x128xf32>
      %min3A_123 = arith.minimumf %min3A_102, %select_n3A_120 : vector<512x128xf32>
      %get3A_124 = arith.constant 0 : index
      %get3A_125 = arith.constant 512 : index
      %get3A_126 = vector.load %arg7[%get3A_124, %get3A_125] : memref<512x4096xf32, #tpu.memory_space<vmem>>, vector<512x128xf32>
      %add3A_127 = arith.constant 5.120000e+02 : f32
      %add3A_128 = vector.broadcast %add3A_127 : f32 to vector<512x128xf32>
      %add3A_129 = arith.addf %convert_element_type3A_38, %add3A_128 : vector<512x128xf32>
      %lt3A_130 = arith.cmpf olt, %get3A_126, %select_n3A_112 : vector<512x128xf32>
      %select_n3A_131 = arith.select %lt3A_130, %select_n3A_112, %get3A_126 : vector<512x128xi1>, vector<512x128xf32>
      %select_n3A_132 = arith.select %lt3A_130, %select_n3A_113, %add3A_129 : vector<512x128xi1>, vector<512x128xf32>
      %select_n3A_133 = arith.select %lt3A_130, %get3A_126, %select_n3A_112 : vector<512x128xi1>, vector<512x128xf32>
      %select_n3A_134 = arith.select %lt3A_130, %add3A_129, %select_n3A_113 : vector<512x128xi1>, vector<512x128xf32>
      %lt3A_135 = arith.cmpf olt, %select_n3A_131, %select_n3A_117 : vector<512x128xf32>
      %select_n3A_136 = arith.select %lt3A_135, %select_n3A_117, %select_n3A_131 : vector<512x128xi1>, vector<512x128xf32>
      %select_n3A_137 = arith.select %lt3A_135, %select_n3A_118, %select_n3A_132 : vector<512x128xi1>, vector<512x128xf32>
      %select_n3A_138 = arith.select %lt3A_135, %select_n3A_131, %select_n3A_117 : vector<512x128xi1>, vector<512x128xf32>
      %select_n3A_139 = arith.select %lt3A_135, %select_n3A_132, %select_n3A_118 : vector<512x128xi1>, vector<512x128xf32>
      %lt3A_140 = arith.cmpf olt, %select_n3A_136, %select_n3A_121 : vector<512x128xf32>
      %select_n3A_141 = arith.select %lt3A_140, %select_n3A_121, %select_n3A_136 : vector<512x128xi1>, vector<512x128xf32>
      %select_n3A_142 = arith.select %lt3A_140, %select_n3A_136, %select_n3A_121 : vector<512x128xi1>, vector<512x128xf32>
      %select_n3A_143 = arith.select %lt3A_140, %select_n3A_137, %select_n3A_122 : vector<512x128xi1>, vector<512x128xf32>
      %min3A_144 = arith.minimumf %min3A_123, %select_n3A_141 : vector<512x128xf32>
      %get3A_145 = arith.constant 0 : index
      %get3A_146 = arith.constant 640 : index
      %get3A_147 = vector.load %arg7[%get3A_145, %get3A_146] : memref<512x4096xf32, #tpu.memory_space<vmem>>, vector<512x128xf32>
      %add3A_148 = arith.constant 6.400000e+02 : f32
      %add3A_149 = vector.broadcast %add3A_148 : f32 to vector<512x128xf32>
      %add3A_150 = arith.addf %convert_element_type3A_38, %add3A_149 : vector<512x128xf32>
      %lt3A_151 = arith.cmpf olt, %get3A_147, %select_n3A_133 : vector<512x128xf32>
      %select_n3A_152 = arith.select %lt3A_151, %select_n3A_133, %get3A_147 : vector<512x128xi1>, vector<512x128xf32>
      %select_n3A_153 = arith.select %lt3A_151, %select_n3A_134, %add3A_150 : vector<512x128xi1>, vector<512x128xf32>
      %select_n3A_154 = arith.select %lt3A_151, %get3A_147, %select_n3A_133 : vector<512x128xi1>, vector<512x128xf32>
      %select_n3A_155 = arith.select %lt3A_151, %add3A_150, %select_n3A_134 : vector<512x128xi1>, vector<512x128xf32>
      %lt3A_156 = arith.cmpf olt, %select_n3A_152, %select_n3A_138 : vector<512x128xf32>
      %select_n3A_157 = arith.select %lt3A_156, %select_n3A_138, %select_n3A_152 : vector<512x128xi1>, vector<512x128xf32>
      %select_n3A_158 = arith.select %lt3A_156, %select_n3A_139, %select_n3A_153 : vector<512x128xi1>, vector<512x128xf32>
      %select_n3A_159 = arith.select %lt3A_156, %select_n3A_152, %select_n3A_138 : vector<512x128xi1>, vector<512x128xf32>
      %select_n3A_160 = arith.select %lt3A_156, %select_n3A_153, %select_n3A_139 : vector<512x128xi1>, vector<512x128xf32>
      %lt3A_161 = arith.cmpf olt, %select_n3A_157, %select_n3A_142 : vector<512x128xf32>
      %select_n3A_162 = arith.select %lt3A_161, %select_n3A_142, %select_n3A_157 : vector<512x128xi1>, vector<512x128xf32>
      %select_n3A_163 = arith.select %lt3A_161, %select_n3A_157, %select_n3A_142 : vector<512x128xi1>, vector<512x128xf32>
      %select_n3A_164 = arith.select %lt3A_161, %select_n3A_158, %select_n3A_143 : vector<512x128xi1>, vector<512x128xf32>
      %min3A_165 = arith.minimumf %min3A_144, %select_n3A_162 : vector<512x128xf32>
      %get3A_166 = arith.constant 0 : index
      %get3A_167 = arith.constant 768 : index
      %get3A_168 = vector.load %arg7[%get3A_166, %get3A_167] : memref<512x4096xf32, #tpu.memory_space<vmem>>, vector<512x128xf32>
      %add3A_169 = arith.constant 7.680000e+02 : f32
      %add3A_170 = vector.broadcast %add3A_169 : f32 to vector<512x128xf32>
      %add3A_171 = arith.addf %convert_element_type3A_38, %add3A_170 : vector<512x128xf32>
      %lt3A_172 = arith.cmpf olt, %get3A_168, %select_n3A_154 : vector<512x128xf32>
      %select_n3A_173 = arith.select %lt3A_172, %select_n3A_154, %get3A_168 : vector<512x128xi1>, vector<512x128xf32>
      %select_n3A_174 = arith.select %lt3A_172, %select_n3A_155, %add3A_171 : vector<512x128xi1>, vector<512x128xf32>
      %select_n3A_175 = arith.select %lt3A_172, %get3A_168, %select_n3A_154 : vector<512x128xi1>, vector<512x128xf32>
      %select_n3A_176 = arith.select %lt3A_172, %add3A_171, %select_n3A_155 : vector<512x128xi1>, vector<512x128xf32>
      %lt3A_177 = arith.cmpf olt, %select_n3A_173, %select_n3A_159 : vector<512x128xf32>
      %select_n3A_178 = arith.select %lt3A_177, %select_n3A_159, %select_n3A_173 : vector<512x128xi1>, vector<512x128xf32>
      %select_n3A_179 = arith.select %lt3A_177, %select_n3A_160, %select_n3A_174 : vector<512x128xi1>, vector<512x128xf32>
      %select_n3A_180 = arith.select %lt3A_177, %select_n3A_173, %select_n3A_159 : vector<512x128xi1>, vector<512x128xf32>
      %select_n3A_181 = arith.select %lt3A_177, %select_n3A_174, %select_n3A_160 : vector<512x128xi1>, vector<512x128xf32>
      %lt3A_182 = arith.cmpf olt, %select_n3A_178, %select_n3A_163 : vector<512x128xf32>
      %select_n3A_183 = arith.select %lt3A_182, %select_n3A_163, %select_n3A_178 : vector<512x128xi1>, vector<512x128xf32>
      %select_n3A_184 = arith.select %lt3A_182, %select_n3A_178, %select_n3A_163 : vector<512x128xi1>, vector<512x128xf32>
      %select_n3A_185 = arith.select %lt3A_182, %select_n3A_179, %select_n3A_164 : vector<512x128xi1>, vector<512x128xf32>
      %min3A_186 = arith.minimumf %min3A_165, %select_n3A_183 : vector<512x128xf32>
      %get3A_187 = arith.constant 0 : index
      %get3A_188 = arith.constant 896 : index
      %get3A_189 = vector.load %arg7[%get3A_187, %get3A_188] : memref<512x4096xf32, #tpu.memory_space<vmem>>, vector<512x128xf32>
      %add3A_190 = arith.constant 8.960000e+02 : f32
      %add3A_191 = vector.broadcast %add3A_190 : f32 to vector<512x128xf32>
      %add3A_192 = arith.addf %convert_element_type3A_38, %add3A_191 : vector<512x128xf32>
      %lt3A_193 = arith.cmpf olt, %get3A_189, %select_n3A_175 : vector<512x128xf32>
      %select_n3A_194 = arith.select %lt3A_193, %select_n3A_175, %get3A_189 : vector<512x128xi1>, vector<512x128xf32>
      %select_n3A_195 = arith.select %lt3A_193, %select_n3A_176, %add3A_192 : vector<512x128xi1>, vector<512x128xf32>
      %select_n3A_196 = arith.select %lt3A_193, %get3A_189, %select_n3A_175 : vector<512x128xi1>, vector<512x128xf32>
      %select_n3A_197 = arith.select %lt3A_193, %add3A_192, %select_n3A_176 : vector<512x128xi1>, vector<512x128xf32>
      %lt3A_198 = arith.cmpf olt, %select_n3A_194, %select_n3A_180 : vector<512x128xf32>
      %select_n3A_199 = arith.select %lt3A_198, %select_n3A_180, %select_n3A_194 : vector<512x128xi1>, vector<512x128xf32>
      %select_n3A_200 = arith.select %lt3A_198, %select_n3A_181, %select_n3A_195 : vector<512x128xi1>, vector<512x128xf32>
      %select_n3A_201 = arith.select %lt3A_198, %select_n3A_194, %select_n3A_180 : vector<512x128xi1>, vector<512x128xf32>
      %select_n3A_202 = arith.select %lt3A_198, %select_n3A_195, %select_n3A_181 : vector<512x128xi1>, vector<512x128xf32>
      %lt3A_203 = arith.cmpf olt, %select_n3A_199, %select_n3A_184 : vector<512x128xf32>
      %select_n3A_204 = arith.select %lt3A_203, %select_n3A_184, %select_n3A_199 : vector<512x128xi1>, vector<512x128xf32>
      %select_n3A_205 = arith.select %lt3A_203, %select_n3A_199, %select_n3A_184 : vector<512x128xi1>, vector<512x128xf32>
      %select_n3A_206 = arith.select %lt3A_203, %select_n3A_200, %select_n3A_185 : vector<512x128xi1>, vector<512x128xf32>
      %min3A_207 = arith.minimumf %min3A_186, %select_n3A_204 : vector<512x128xf32>
      %get3A_208 = arith.constant 0 : index
      %get3A_209 = arith.constant 1024 : index
      %get3A_210 = vector.load %arg7[%get3A_208, %get3A_209] : memref<512x4096xf32, #tpu.memory_space<vmem>>, vector<512x128xf32>
      %add3A_211 = arith.constant 1.024000e+03 : f32
      %add3A_212 = vector.broadcast %add3A_211 : f32 to vector<512x128xf32>
      %add3A_213 = arith.addf %convert_element_type3A_38, %add3A_212 : vector<512x128xf32>
      %lt3A_214 = arith.cmpf olt, %get3A_210, %select_n3A_196 : vector<512x128xf32>
      %select_n3A_215 = arith.select %lt3A_214, %select_n3A_196, %get3A_210 : vector<512x128xi1>, vector<512x128xf32>
      %select_n3A_216 = arith.select %lt3A_214, %select_n3A_197, %add3A_213 : vector<512x128xi1>, vector<512x128xf32>
      %select_n3A_217 = arith.select %lt3A_214, %get3A_210, %select_n3A_196 : vector<512x128xi1>, vector<512x128xf32>
      %select_n3A_218 = arith.select %lt3A_214, %add3A_213, %select_n3A_197 : vector<512x128xi1>, vector<512x128xf32>
      %lt3A_219 = arith.cmpf olt, %select_n3A_215, %select_n3A_201 : vector<512x128xf32>
      %select_n3A_220 = arith.select %lt3A_219, %select_n3A_201, %select_n3A_215 : vector<512x128xi1>, vector<512x128xf32>
      %select_n3A_221 = arith.select %lt3A_219, %select_n3A_202, %select_n3A_216 : vector<512x128xi1>, vector<512x128xf32>
      %select_n3A_222 = arith.select %lt3A_219, %select_n3A_215, %select_n3A_201 : vector<512x128xi1>, vector<512x128xf32>
      %select_n3A_223 = arith.select %lt3A_219, %select_n3A_216, %select_n3A_202 : vector<512x128xi1>, vector<512x128xf32>
      %lt3A_224 = arith.cmpf olt, %select_n3A_220, %select_n3A_205 : vector<512x128xf32>
      %select_n3A_225 = arith.select %lt3A_224, %select_n3A_205, %select_n3A_220 : vector<512x128xi1>, vector<512x128xf32>
      %select_n3A_226 = arith.select %lt3A_224, %select_n3A_220, %select_n3A_205 : vector<512x128xi1>, vector<512x128xf32>
      %select_n3A_227 = arith.select %lt3A_224, %select_n3A_221, %select_n3A_206 : vector<512x128xi1>, vector<512x128xf32>
      %min3A_228 = arith.minimumf %min3A_207, %select_n3A_225 : vector<512x128xf32>
      %get3A_229 = arith.constant 0 : index
      %get3A_230 = arith.constant 1152 : index
      %get3A_231 = vector.load %arg7[%get3A_229, %get3A_230] : memref<512x4096xf32, #tpu.memory_space<vmem>>, vector<512x128xf32>
      %add3A_232 = arith.constant 1.152000e+03 : f32
      %add3A_233 = vector.broadcast %add3A_232 : f32 to vector<512x128xf32>
      %add3A_234 = arith.addf %convert_element_type3A_38, %add3A_233 : vector<512x128xf32>
      %lt3A_235 = arith.cmpf olt, %get3A_231, %select_n3A_217 : vector<512x128xf32>
      %select_n3A_236 = arith.select %lt3A_235, %select_n3A_217, %get3A_231 : vector<512x128xi1>, vector<512x128xf32>
      %select_n3A_237 = arith.select %lt3A_235, %select_n3A_218, %add3A_234 : vector<512x128xi1>, vector<512x128xf32>
      %select_n3A_238 = arith.select %lt3A_235, %get3A_231, %select_n3A_217 : vector<512x128xi1>, vector<512x128xf32>
      %select_n3A_239 = arith.select %lt3A_235, %add3A_234, %select_n3A_218 : vector<512x128xi1>, vector<512x128xf32>
      %lt3A_240 = arith.cmpf olt, %select_n3A_236, %select_n3A_222 : vector<512x128xf32>
      %select_n3A_241 = arith.select %lt3A_240, %select_n3A_222, %select_n3A_236 : vector<512x128xi1>, vector<512x128xf32>
      %select_n3A_242 = arith.select %lt3A_240, %select_n3A_223, %select_n3A_237 : vector<512x128xi1>, vector<512x128xf32>
      %select_n3A_243 = arith.select %lt3A_240, %select_n3A_236, %select_n3A_222 : vector<512x128xi1>, vector<512x128xf32>
      %select_n3A_244 = arith.select %lt3A_240, %select_n3A_237, %select_n3A_223 : vector<512x128xi1>, vector<512x128xf32>
      %lt3A_245 = arith.cmpf olt, %select_n3A_241, %select_n3A_226 : vector<512x128xf32>
      %select_n3A_246 = arith.select %lt3A_245, %select_n3A_226, %select_n3A_241 : vector<512x128xi1>, vector<512x128xf32>
      %select_n3A_247 = arith.select %lt3A_245, %select_n3A_241, %select_n3A_226 : vector<512x128xi1>, vector<512x128xf32>
      %select_n3A_248 = arith.select %lt3A_245, %select_n3A_242, %select_n3A_227 : vector<512x128xi1>, vector<512x128xf32>
      %min3A_249 = arith.minimumf %min3A_228, %select_n3A_246 : vector<512x128xf32>
      %get3A_250 = arith.constant 0 : index
      %get3A_251 = arith.constant 1280 : index
      %get3A_252 = vector.load %arg7[%get3A_250, %get3A_251] : memref<512x4096xf32, #tpu.memory_space<vmem>>, vector<512x128xf32>
      %add3A_253 = arith.constant 1.280000e+03 : f32
      %add3A_254 = vector.broadcast %add3A_253 : f32 to vector<512x128xf32>
      %add3A_255 = arith.addf %convert_element_type3A_38, %add3A_254 : vector<512x128xf32>
      %lt3A_256 = arith.cmpf olt, %get3A_252, %select_n3A_238 : vector<512x128xf32>
      %select_n3A_257 = arith.select %lt3A_256, %select_n3A_238, %get3A_252 : vector<512x128xi1>, vector<512x128xf32>
      %select_n3A_258 = arith.select %lt3A_256, %select_n3A_239, %add3A_255 : vector<512x128xi1>, vector<512x128xf32>
      %select_n3A_259 = arith.select %lt3A_256, %get3A_252, %select_n3A_238 : vector<512x128xi1>, vector<512x128xf32>
      %select_n3A_260 = arith.select %lt3A_256, %add3A_255, %select_n3A_239 : vector<512x128xi1>, vector<512x128xf32>
      %lt3A_261 = arith.cmpf olt, %select_n3A_257, %select_n3A_243 : vector<512x128xf32>
      %select_n3A_262 = arith.select %lt3A_261, %select_n3A_243, %select_n3A_257 : vector<512x128xi1>, vector<512x128xf32>
      %select_n3A_263 = arith.select %lt3A_261, %select_n3A_244, %select_n3A_258 : vector<512x128xi1>, vector<512x128xf32>
      %select_n3A_264 = arith.select %lt3A_261, %select_n3A_257, %select_n3A_243 : vector<512x128xi1>, vector<512x128xf32>
      %select_n3A_265 = arith.select %lt3A_261, %select_n3A_258, %select_n3A_244 : vector<512x128xi1>, vector<512x128xf32>
      %lt3A_266 = arith.cmpf olt, %select_n3A_262, %select_n3A_247 : vector<512x128xf32>
      %select_n3A_267 = arith.select %lt3A_266, %select_n3A_247, %select_n3A_262 : vector<512x128xi1>, vector<512x128xf32>
      %select_n3A_268 = arith.select %lt3A_266, %select_n3A_262, %select_n3A_247 : vector<512x128xi1>, vector<512x128xf32>
      %select_n3A_269 = arith.select %lt3A_266, %select_n3A_263, %select_n3A_248 : vector<512x128xi1>, vector<512x128xf32>
      %min3A_270 = arith.minimumf %min3A_249, %select_n3A_267 : vector<512x128xf32>
      %get3A_271 = arith.constant 0 : index
      %get3A_272 = arith.constant 1408 : index
      %get3A_273 = vector.load %arg7[%get3A_271, %get3A_272] : memref<512x4096xf32, #tpu.memory_space<vmem>>, vector<512x128xf32>
      %add3A_274 = arith.constant 1.408000e+03 : f32
      %add3A_275 = vector.broadcast %add3A_274 : f32 to vector<512x128xf32>
      %add3A_276 = arith.addf %convert_element_type3A_38, %add3A_275 : vector<512x128xf32>
      %lt3A_277 = arith.cmpf olt, %get3A_273, %select_n3A_259 : vector<512x128xf32>
      %select_n3A_278 = arith.select %lt3A_277, %select_n3A_259, %get3A_273 : vector<512x128xi1>, vector<512x128xf32>
      %select_n3A_279 = arith.select %lt3A_277, %select_n3A_260, %add3A_276 : vector<512x128xi1>, vector<512x128xf32>
      %select_n3A_280 = arith.select %lt3A_277, %get3A_273, %select_n3A_259 : vector<512x128xi1>, vector<512x128xf32>
      %select_n3A_281 = arith.select %lt3A_277, %add3A_276, %select_n3A_260 : vector<512x128xi1>, vector<512x128xf32>
      %lt3A_282 = arith.cmpf olt, %select_n3A_278, %select_n3A_264 : vector<512x128xf32>
      %select_n3A_283 = arith.select %lt3A_282, %select_n3A_264, %select_n3A_278 : vector<512x128xi1>, vector<512x128xf32>
      %select_n3A_284 = arith.select %lt3A_282, %select_n3A_265, %select_n3A_279 : vector<512x128xi1>, vector<512x128xf32>
      %select_n3A_285 = arith.select %lt3A_282, %select_n3A_278, %select_n3A_264 : vector<512x128xi1>, vector<512x128xf32>
      %select_n3A_286 = arith.select %lt3A_282, %select_n3A_279, %select_n3A_265 : vector<512x128xi1>, vector<512x128xf32>
      %lt3A_287 = arith.cmpf olt, %select_n3A_283, %select_n3A_268 : vector<512x128xf32>
      %select_n3A_288 = arith.select %lt3A_287, %select_n3A_268, %select_n3A_283 : vector<512x128xi1>, vector<512x128xf32>
      %select_n3A_289 = arith.select %lt3A_287, %select_n3A_283, %select_n3A_268 : vector<512x128xi1>, vector<512x128xf32>
      %select_n3A_290 = arith.select %lt3A_287, %select_n3A_284, %select_n3A_269 : vector<512x128xi1>, vector<512x128xf32>
      %min3A_291 = arith.minimumf %min3A_270, %select_n3A_288 : vector<512x128xf32>
      %get3A_292 = arith.constant 0 : index
      %get3A_293 = arith.constant 1536 : index
      %get3A_294 = vector.load %arg7[%get3A_292, %get3A_293] : memref<512x4096xf32, #tpu.memory_space<vmem>>, vector<512x128xf32>
      %add3A_295 = arith.constant 1.536000e+03 : f32
      %add3A_296 = vector.broadcast %add3A_295 : f32 to vector<512x128xf32>
      %add3A_297 = arith.addf %convert_element_type3A_38, %add3A_296 : vector<512x128xf32>
      %lt3A_298 = arith.cmpf olt, %get3A_294, %select_n3A_280 : vector<512x128xf32>
      %select_n3A_299 = arith.select %lt3A_298, %select_n3A_280, %get3A_294 : vector<512x128xi1>, vector<512x128xf32>
      %select_n3A_300 = arith.select %lt3A_298, %select_n3A_281, %add3A_297 : vector<512x128xi1>, vector<512x128xf32>
      %select_n3A_301 = arith.select %lt3A_298, %get3A_294, %select_n3A_280 : vector<512x128xi1>, vector<512x128xf32>
      %select_n3A_302 = arith.select %lt3A_298, %add3A_297, %select_n3A_281 : vector<512x128xi1>, vector<512x128xf32>
      %lt3A_303 = arith.cmpf olt, %select_n3A_299, %select_n3A_285 : vector<512x128xf32>
      %select_n3A_304 = arith.select %lt3A_303, %select_n3A_285, %select_n3A_299 : vector<512x128xi1>, vector<512x128xf32>
      %select_n3A_305 = arith.select %lt3A_303, %select_n3A_286, %select_n3A_300 : vector<512x128xi1>, vector<512x128xf32>
      %select_n3A_306 = arith.select %lt3A_303, %select_n3A_299, %select_n3A_285 : vector<512x128xi1>, vector<512x128xf32>
      %select_n3A_307 = arith.select %lt3A_303, %select_n3A_300, %select_n3A_286 : vector<512x128xi1>, vector<512x128xf32>
      %lt3A_308 = arith.cmpf olt, %select_n3A_304, %select_n3A_289 : vector<512x128xf32>
      %select_n3A_309 = arith.select %lt3A_308, %select_n3A_289, %select_n3A_304 : vector<512x128xi1>, vector<512x128xf32>
      %select_n3A_310 = arith.select %lt3A_308, %select_n3A_304, %select_n3A_289 : vector<512x128xi1>, vector<512x128xf32>
      %select_n3A_311 = arith.select %lt3A_308, %select_n3A_305, %select_n3A_290 : vector<512x128xi1>, vector<512x128xf32>
      %min3A_312 = arith.minimumf %min3A_291, %select_n3A_309 : vector<512x128xf32>
      %get3A_313 = arith.constant 0 : index
      %get3A_314 = arith.constant 1664 : index
      %get3A_315 = vector.load %arg7[%get3A_313, %get3A_314] : memref<512x4096xf32, #tpu.memory_space<vmem>>, vector<512x128xf32>
      %add3A_316 = arith.constant 1.664000e+03 : f32
      %add3A_317 = vector.broadcast %add3A_316 : f32 to vector<512x128xf32>
      %add3A_318 = arith.addf %convert_element_type3A_38, %add3A_317 : vector<512x128xf32>
      %lt3A_319 = arith.cmpf olt, %get3A_315, %select_n3A_301 : vector<512x128xf32>
      %select_n3A_320 = arith.select %lt3A_319, %select_n3A_301, %get3A_315 : vector<512x128xi1>, vector<512x128xf32>
      %select_n3A_321 = arith.select %lt3A_319, %select_n3A_302, %add3A_318 : vector<512x128xi1>, vector<512x128xf32>
      %select_n3A_322 = arith.select %lt3A_319, %get3A_315, %select_n3A_301 : vector<512x128xi1>, vector<512x128xf32>
      %select_n3A_323 = arith.select %lt3A_319, %add3A_318, %select_n3A_302 : vector<512x128xi1>, vector<512x128xf32>
      %lt3A_324 = arith.cmpf olt, %select_n3A_320, %select_n3A_306 : vector<512x128xf32>
      %select_n3A_325 = arith.select %lt3A_324, %select_n3A_306, %select_n3A_320 : vector<512x128xi1>, vector<512x128xf32>
      %select_n3A_326 = arith.select %lt3A_324, %select_n3A_307, %select_n3A_321 : vector<512x128xi1>, vector<512x128xf32>
      %select_n3A_327 = arith.select %lt3A_324, %select_n3A_320, %select_n3A_306 : vector<512x128xi1>, vector<512x128xf32>
      %select_n3A_328 = arith.select %lt3A_324, %select_n3A_321, %select_n3A_307 : vector<512x128xi1>, vector<512x128xf32>
      %lt3A_329 = arith.cmpf olt, %select_n3A_325, %select_n3A_310 : vector<512x128xf32>
      %select_n3A_330 = arith.select %lt3A_329, %select_n3A_310, %select_n3A_325 : vector<512x128xi1>, vector<512x128xf32>
      %select_n3A_331 = arith.select %lt3A_329, %select_n3A_325, %select_n3A_310 : vector<512x128xi1>, vector<512x128xf32>
      %select_n3A_332 = arith.select %lt3A_329, %select_n3A_326, %select_n3A_311 : vector<512x128xi1>, vector<512x128xf32>
      %min3A_333 = arith.minimumf %min3A_312, %select_n3A_330 : vector<512x128xf32>
      %get3A_334 = arith.constant 0 : index
      %get3A_335 = arith.constant 1792 : index
      %get3A_336 = vector.load %arg7[%get3A_334, %get3A_335] : memref<512x4096xf32, #tpu.memory_space<vmem>>, vector<512x128xf32>
      %add3A_337 = arith.constant 1.792000e+03 : f32
      %add3A_338 = vector.broadcast %add3A_337 : f32 to vector<512x128xf32>
      %add3A_339 = arith.addf %convert_element_type3A_38, %add3A_338 : vector<512x128xf32>
      %lt3A_340 = arith.cmpf olt, %get3A_336, %select_n3A_322 : vector<512x128xf32>
      %select_n3A_341 = arith.select %lt3A_340, %select_n3A_322, %get3A_336 : vector<512x128xi1>, vector<512x128xf32>
      %select_n3A_342 = arith.select %lt3A_340, %select_n3A_323, %add3A_339 : vector<512x128xi1>, vector<512x128xf32>
      %select_n3A_343 = arith.select %lt3A_340, %get3A_336, %select_n3A_322 : vector<512x128xi1>, vector<512x128xf32>
      %select_n3A_344 = arith.select %lt3A_340, %add3A_339, %select_n3A_323 : vector<512x128xi1>, vector<512x128xf32>
      %lt3A_345 = arith.cmpf olt, %select_n3A_341, %select_n3A_327 : vector<512x128xf32>
      %select_n3A_346 = arith.select %lt3A_345, %select_n3A_327, %select_n3A_341 : vector<512x128xi1>, vector<512x128xf32>
      %select_n3A_347 = arith.select %lt3A_345, %select_n3A_328, %select_n3A_342 : vector<512x128xi1>, vector<512x128xf32>
      %select_n3A_348 = arith.select %lt3A_345, %select_n3A_341, %select_n3A_327 : vector<512x128xi1>, vector<512x128xf32>
      %select_n3A_349 = arith.select %lt3A_345, %select_n3A_342, %select_n3A_328 : vector<512x128xi1>, vector<512x128xf32>
      %lt3A_350 = arith.cmpf olt, %select_n3A_346, %select_n3A_331 : vector<512x128xf32>
      %select_n3A_351 = arith.select %lt3A_350, %select_n3A_331, %select_n3A_346 : vector<512x128xi1>, vector<512x128xf32>
      %select_n3A_352 = arith.select %lt3A_350, %select_n3A_346, %select_n3A_331 : vector<512x128xi1>, vector<512x128xf32>
      %select_n3A_353 = arith.select %lt3A_350, %select_n3A_347, %select_n3A_332 : vector<512x128xi1>, vector<512x128xf32>
      %min3A_354 = arith.minimumf %min3A_333, %select_n3A_351 : vector<512x128xf32>
      %get3A_355 = arith.constant 0 : index
      %get3A_356 = arith.constant 1920 : index
      %get3A_357 = vector.load %arg7[%get3A_355, %get3A_356] : memref<512x4096xf32, #tpu.memory_space<vmem>>, vector<512x128xf32>
      %add3A_358 = arith.constant 1.920000e+03 : f32
      %add3A_359 = vector.broadcast %add3A_358 : f32 to vector<512x128xf32>
      %add3A_360 = arith.addf %convert_element_type3A_38, %add3A_359 : vector<512x128xf32>
      %lt3A_361 = arith.cmpf olt, %get3A_357, %select_n3A_343 : vector<512x128xf32>
      %select_n3A_362 = arith.select %lt3A_361, %select_n3A_343, %get3A_357 : vector<512x128xi1>, vector<512x128xf32>
      %select_n3A_363 = arith.select %lt3A_361, %select_n3A_344, %add3A_360 : vector<512x128xi1>, vector<512x128xf32>
      %select_n3A_364 = arith.select %lt3A_361, %get3A_357, %select_n3A_343 : vector<512x128xi1>, vector<512x128xf32>
      %select_n3A_365 = arith.select %lt3A_361, %add3A_360, %select_n3A_344 : vector<512x128xi1>, vector<512x128xf32>
      %lt3A_366 = arith.cmpf olt, %select_n3A_362, %select_n3A_348 : vector<512x128xf32>
      %select_n3A_367 = arith.select %lt3A_366, %select_n3A_348, %select_n3A_362 : vector<512x128xi1>, vector<512x128xf32>
      %select_n3A_368 = arith.select %lt3A_366, %select_n3A_349, %select_n3A_363 : vector<512x128xi1>, vector<512x128xf32>
      %select_n3A_369 = arith.select %lt3A_366, %select_n3A_362, %select_n3A_348 : vector<512x128xi1>, vector<512x128xf32>
      %select_n3A_370 = arith.select %lt3A_366, %select_n3A_363, %select_n3A_349 : vector<512x128xi1>, vector<512x128xf32>
      %lt3A_371 = arith.cmpf olt, %select_n3A_367, %select_n3A_352 : vector<512x128xf32>
      %select_n3A_372 = arith.select %lt3A_371, %select_n3A_352, %select_n3A_367 : vector<512x128xi1>, vector<512x128xf32>
      %select_n3A_373 = arith.select %lt3A_371, %select_n3A_367, %select_n3A_352 : vector<512x128xi1>, vector<512x128xf32>
      %select_n3A_374 = arith.select %lt3A_371, %select_n3A_368, %select_n3A_353 : vector<512x128xi1>, vector<512x128xf32>
      %min3A_375 = arith.minimumf %min3A_354, %select_n3A_372 : vector<512x128xf32>
      %get3A_376 = arith.constant 0 : index
      %get3A_377 = arith.constant 2048 : index
      %get3A_378 = vector.load %arg7[%get3A_376, %get3A_377] : memref<512x4096xf32, #tpu.memory_space<vmem>>, vector<512x128xf32>
      %add3A_379 = arith.constant 2.048000e+03 : f32
      %add3A_380 = vector.broadcast %add3A_379 : f32 to vector<512x128xf32>
      %add3A_381 = arith.addf %convert_element_type3A_38, %add3A_380 : vector<512x128xf32>
      %lt3A_382 = arith.cmpf olt, %get3A_378, %select_n3A_364 : vector<512x128xf32>
      %select_n3A_383 = arith.select %lt3A_382, %select_n3A_364, %get3A_378 : vector<512x128xi1>, vector<512x128xf32>
      %select_n3A_384 = arith.select %lt3A_382, %select_n3A_365, %add3A_381 : vector<512x128xi1>, vector<512x128xf32>
      %select_n3A_385 = arith.select %lt3A_382, %get3A_378, %select_n3A_364 : vector<512x128xi1>, vector<512x128xf32>
      %select_n3A_386 = arith.select %lt3A_382, %add3A_381, %select_n3A_365 : vector<512x128xi1>, vector<512x128xf32>
      %lt3A_387 = arith.cmpf olt, %select_n3A_383, %select_n3A_369 : vector<512x128xf32>
      %select_n3A_388 = arith.select %lt3A_387, %select_n3A_369, %select_n3A_383 : vector<512x128xi1>, vector<512x128xf32>
      %select_n3A_389 = arith.select %lt3A_387, %select_n3A_370, %select_n3A_384 : vector<512x128xi1>, vector<512x128xf32>
      %select_n3A_390 = arith.select %lt3A_387, %select_n3A_383, %select_n3A_369 : vector<512x128xi1>, vector<512x128xf32>
      %select_n3A_391 = arith.select %lt3A_387, %select_n3A_384, %select_n3A_370 : vector<512x128xi1>, vector<512x128xf32>
      %lt3A_392 = arith.cmpf olt, %select_n3A_388, %select_n3A_373 : vector<512x128xf32>
      %select_n3A_393 = arith.select %lt3A_392, %select_n3A_373, %select_n3A_388 : vector<512x128xi1>, vector<512x128xf32>
      %select_n3A_394 = arith.select %lt3A_392, %select_n3A_388, %select_n3A_373 : vector<512x128xi1>, vector<512x128xf32>
      %select_n3A_395 = arith.select %lt3A_392, %select_n3A_389, %select_n3A_374 : vector<512x128xi1>, vector<512x128xf32>
      %min3A_396 = arith.minimumf %min3A_375, %select_n3A_393 : vector<512x128xf32>
      %get3A_397 = arith.constant 0 : index
      %get3A_398 = arith.constant 2176 : index
      %get3A_399 = vector.load %arg7[%get3A_397, %get3A_398] : memref<512x4096xf32, #tpu.memory_space<vmem>>, vector<512x128xf32>
      %add3A_400 = arith.constant 2.176000e+03 : f32
      %add3A_401 = vector.broadcast %add3A_400 : f32 to vector<512x128xf32>
      %add3A_402 = arith.addf %convert_element_type3A_38, %add3A_401 : vector<512x128xf32>
      %lt3A_403 = arith.cmpf olt, %get3A_399, %select_n3A_385 : vector<512x128xf32>
      %select_n3A_404 = arith.select %lt3A_403, %select_n3A_385, %get3A_399 : vector<512x128xi1>, vector<512x128xf32>
      %select_n3A_405 = arith.select %lt3A_403, %select_n3A_386, %add3A_402 : vector<512x128xi1>, vector<512x128xf32>
      %select_n3A_406 = arith.select %lt3A_403, %get3A_399, %select_n3A_385 : vector<512x128xi1>, vector<512x128xf32>
      %select_n3A_407 = arith.select %lt3A_403, %add3A_402, %select_n3A_386 : vector<512x128xi1>, vector<512x128xf32>
      %lt3A_408 = arith.cmpf olt, %select_n3A_404, %select_n3A_390 : vector<512x128xf32>
      %select_n3A_409 = arith.select %lt3A_408, %select_n3A_390, %select_n3A_404 : vector<512x128xi1>, vector<512x128xf32>
      %select_n3A_410 = arith.select %lt3A_408, %select_n3A_391, %select_n3A_405 : vector<512x128xi1>, vector<512x128xf32>
      %select_n3A_411 = arith.select %lt3A_408, %select_n3A_404, %select_n3A_390 : vector<512x128xi1>, vector<512x128xf32>
      %select_n3A_412 = arith.select %lt3A_408, %select_n3A_405, %select_n3A_391 : vector<512x128xi1>, vector<512x128xf32>
      %lt3A_413 = arith.cmpf olt, %select_n3A_409, %select_n3A_394 : vector<512x128xf32>
      %select_n3A_414 = arith.select %lt3A_413, %select_n3A_394, %select_n3A_409 : vector<512x128xi1>, vector<512x128xf32>
      %select_n3A_415 = arith.select %lt3A_413, %select_n3A_409, %select_n3A_394 : vector<512x128xi1>, vector<512x128xf32>
      %select_n3A_416 = arith.select %lt3A_413, %select_n3A_410, %select_n3A_395 : vector<512x128xi1>, vector<512x128xf32>
      %min3A_417 = arith.minimumf %min3A_396, %select_n3A_414 : vector<512x128xf32>
      %get3A_418 = arith.constant 0 : index
      %get3A_419 = arith.constant 2304 : index
      %get3A_420 = vector.load %arg7[%get3A_418, %get3A_419] : memref<512x4096xf32, #tpu.memory_space<vmem>>, vector<512x128xf32>
      %add3A_421 = arith.constant 2.304000e+03 : f32
      %add3A_422 = vector.broadcast %add3A_421 : f32 to vector<512x128xf32>
      %add3A_423 = arith.addf %convert_element_type3A_38, %add3A_422 : vector<512x128xf32>
      %lt3A_424 = arith.cmpf olt, %get3A_420, %select_n3A_406 : vector<512x128xf32>
      %select_n3A_425 = arith.select %lt3A_424, %select_n3A_406, %get3A_420 : vector<512x128xi1>, vector<512x128xf32>
      %select_n3A_426 = arith.select %lt3A_424, %select_n3A_407, %add3A_423 : vector<512x128xi1>, vector<512x128xf32>
      %select_n3A_427 = arith.select %lt3A_424, %get3A_420, %select_n3A_406 : vector<512x128xi1>, vector<512x128xf32>
      %select_n3A_428 = arith.select %lt3A_424, %add3A_423, %select_n3A_407 : vector<512x128xi1>, vector<512x128xf32>
      %lt3A_429 = arith.cmpf olt, %select_n3A_425, %select_n3A_411 : vector<512x128xf32>
      %select_n3A_430 = arith.select %lt3A_429, %select_n3A_411, %select_n3A_425 : vector<512x128xi1>, vector<512x128xf32>
      %select_n3A_431 = arith.select %lt3A_429, %select_n3A_412, %select_n3A_426 : vector<512x128xi1>, vector<512x128xf32>
      %select_n3A_432 = arith.select %lt3A_429, %select_n3A_425, %select_n3A_411 : vector<512x128xi1>, vector<512x128xf32>
      %select_n3A_433 = arith.select %lt3A_429, %select_n3A_426, %select_n3A_412 : vector<512x128xi1>, vector<512x128xf32>
      %lt3A_434 = arith.cmpf olt, %select_n3A_430, %select_n3A_415 : vector<512x128xf32>
      %select_n3A_435 = arith.select %lt3A_434, %select_n3A_415, %select_n3A_430 : vector<512x128xi1>, vector<512x128xf32>
      %select_n3A_436 = arith.select %lt3A_434, %select_n3A_430, %select_n3A_415 : vector<512x128xi1>, vector<512x128xf32>
      %select_n3A_437 = arith.select %lt3A_434, %select_n3A_431, %select_n3A_416 : vector<512x128xi1>, vector<512x128xf32>
      %min3A_438 = arith.minimumf %min3A_417, %select_n3A_435 : vector<512x128xf32>
      %get3A_439 = arith.constant 0 : index
      %get3A_440 = arith.constant 2432 : index
      %get3A_441 = vector.load %arg7[%get3A_439, %get3A_440] : memref<512x4096xf32, #tpu.memory_space<vmem>>, vector<512x128xf32>
      %add3A_442 = arith.constant 2.432000e+03 : f32
      %add3A_443 = vector.broadcast %add3A_442 : f32 to vector<512x128xf32>
      %add3A_444 = arith.addf %convert_element_type3A_38, %add3A_443 : vector<512x128xf32>
      %lt3A_445 = arith.cmpf olt, %get3A_441, %select_n3A_427 : vector<512x128xf32>
      %select_n3A_446 = arith.select %lt3A_445, %select_n3A_427, %get3A_441 : vector<512x128xi1>, vector<512x128xf32>
      %select_n3A_447 = arith.select %lt3A_445, %select_n3A_428, %add3A_444 : vector<512x128xi1>, vector<512x128xf32>
      %select_n3A_448 = arith.select %lt3A_445, %get3A_441, %select_n3A_427 : vector<512x128xi1>, vector<512x128xf32>
      %select_n3A_449 = arith.select %lt3A_445, %add3A_444, %select_n3A_428 : vector<512x128xi1>, vector<512x128xf32>
      %lt3A_450 = arith.cmpf olt, %select_n3A_446, %select_n3A_432 : vector<512x128xf32>
      %select_n3A_451 = arith.select %lt3A_450, %select_n3A_432, %select_n3A_446 : vector<512x128xi1>, vector<512x128xf32>
      %select_n3A_452 = arith.select %lt3A_450, %select_n3A_433, %select_n3A_447 : vector<512x128xi1>, vector<512x128xf32>
      %select_n3A_453 = arith.select %lt3A_450, %select_n3A_446, %select_n3A_432 : vector<512x128xi1>, vector<512x128xf32>
      %select_n3A_454 = arith.select %lt3A_450, %select_n3A_447, %select_n3A_433 : vector<512x128xi1>, vector<512x128xf32>
      %lt3A_455 = arith.cmpf olt, %select_n3A_451, %select_n3A_436 : vector<512x128xf32>
      %select_n3A_456 = arith.select %lt3A_455, %select_n3A_436, %select_n3A_451 : vector<512x128xi1>, vector<512x128xf32>
      %select_n3A_457 = arith.select %lt3A_455, %select_n3A_451, %select_n3A_436 : vector<512x128xi1>, vector<512x128xf32>
      %select_n3A_458 = arith.select %lt3A_455, %select_n3A_452, %select_n3A_437 : vector<512x128xi1>, vector<512x128xf32>
      %min3A_459 = arith.minimumf %min3A_438, %select_n3A_456 : vector<512x128xf32>
      %get3A_460 = arith.constant 0 : index
      %get3A_461 = arith.constant 2560 : index
      %get3A_462 = vector.load %arg7[%get3A_460, %get3A_461] : memref<512x4096xf32, #tpu.memory_space<vmem>>, vector<512x128xf32>
      %add3A_463 = arith.constant 2.560000e+03 : f32
      %add3A_464 = vector.broadcast %add3A_463 : f32 to vector<512x128xf32>
      %add3A_465 = arith.addf %convert_element_type3A_38, %add3A_464 : vector<512x128xf32>
      %lt3A_466 = arith.cmpf olt, %get3A_462, %select_n3A_448 : vector<512x128xf32>
      %select_n3A_467 = arith.select %lt3A_466, %select_n3A_448, %get3A_462 : vector<512x128xi1>, vector<512x128xf32>
      %select_n3A_468 = arith.select %lt3A_466, %select_n3A_449, %add3A_465 : vector<512x128xi1>, vector<512x128xf32>
      %select_n3A_469 = arith.select %lt3A_466, %get3A_462, %select_n3A_448 : vector<512x128xi1>, vector<512x128xf32>
      %select_n3A_470 = arith.select %lt3A_466, %add3A_465, %select_n3A_449 : vector<512x128xi1>, vector<512x128xf32>
      %lt3A_471 = arith.cmpf olt, %select_n3A_467, %select_n3A_453 : vector<512x128xf32>
      %select_n3A_472 = arith.select %lt3A_471, %select_n3A_453, %select_n3A_467 : vector<512x128xi1>, vector<512x128xf32>
      %select_n3A_473 = arith.select %lt3A_471, %select_n3A_454, %select_n3A_468 : vector<512x128xi1>, vector<512x128xf32>
      %select_n3A_474 = arith.select %lt3A_471, %select_n3A_467, %select_n3A_453 : vector<512x128xi1>, vector<512x128xf32>
      %select_n3A_475 = arith.select %lt3A_471, %select_n3A_468, %select_n3A_454 : vector<512x128xi1>, vector<512x128xf32>
      %lt3A_476 = arith.cmpf olt, %select_n3A_472, %select_n3A_457 : vector<512x128xf32>
      %select_n3A_477 = arith.select %lt3A_476, %select_n3A_457, %select_n3A_472 : vector<512x128xi1>, vector<512x128xf32>
      %select_n3A_478 = arith.select %lt3A_476, %select_n3A_472, %select_n3A_457 : vector<512x128xi1>, vector<512x128xf32>
      %select_n3A_479 = arith.select %lt3A_476, %select_n3A_473, %select_n3A_458 : vector<512x128xi1>, vector<512x128xf32>
      %min3A_480 = arith.minimumf %min3A_459, %select_n3A_477 : vector<512x128xf32>
      %get3A_481 = arith.constant 0 : index
      %get3A_482 = arith.constant 2688 : index
      %get3A_483 = vector.load %arg7[%get3A_481, %get3A_482] : memref<512x4096xf32, #tpu.memory_space<vmem>>, vector<512x128xf32>
      %add3A_484 = arith.constant 2.688000e+03 : f32
      %add3A_485 = vector.broadcast %add3A_484 : f32 to vector<512x128xf32>
      %add3A_486 = arith.addf %convert_element_type3A_38, %add3A_485 : vector<512x128xf32>
      %lt3A_487 = arith.cmpf olt, %get3A_483, %select_n3A_469 : vector<512x128xf32>
      %select_n3A_488 = arith.select %lt3A_487, %select_n3A_469, %get3A_483 : vector<512x128xi1>, vector<512x128xf32>
      %select_n3A_489 = arith.select %lt3A_487, %select_n3A_470, %add3A_486 : vector<512x128xi1>, vector<512x128xf32>
      %select_n3A_490 = arith.select %lt3A_487, %get3A_483, %select_n3A_469 : vector<512x128xi1>, vector<512x128xf32>
      %select_n3A_491 = arith.select %lt3A_487, %add3A_486, %select_n3A_470 : vector<512x128xi1>, vector<512x128xf32>
      %lt3A_492 = arith.cmpf olt, %select_n3A_488, %select_n3A_474 : vector<512x128xf32>
      %select_n3A_493 = arith.select %lt3A_492, %select_n3A_474, %select_n3A_488 : vector<512x128xi1>, vector<512x128xf32>
      %select_n3A_494 = arith.select %lt3A_492, %select_n3A_475, %select_n3A_489 : vector<512x128xi1>, vector<512x128xf32>
      %select_n3A_495 = arith.select %lt3A_492, %select_n3A_488, %select_n3A_474 : vector<512x128xi1>, vector<512x128xf32>
      %select_n3A_496 = arith.select %lt3A_492, %select_n3A_489, %select_n3A_475 : vector<512x128xi1>, vector<512x128xf32>
      %lt3A_497 = arith.cmpf olt, %select_n3A_493, %select_n3A_478 : vector<512x128xf32>
      %select_n3A_498 = arith.select %lt3A_497, %select_n3A_478, %select_n3A_493 : vector<512x128xi1>, vector<512x128xf32>
      %select_n3A_499 = arith.select %lt3A_497, %select_n3A_493, %select_n3A_478 : vector<512x128xi1>, vector<512x128xf32>
      %select_n3A_500 = arith.select %lt3A_497, %select_n3A_494, %select_n3A_479 : vector<512x128xi1>, vector<512x128xf32>
      %min3A_501 = arith.minimumf %min3A_480, %select_n3A_498 : vector<512x128xf32>
      %get3A_502 = arith.constant 0 : index
      %get3A_503 = arith.constant 2816 : index
      %get3A_504 = vector.load %arg7[%get3A_502, %get3A_503] : memref<512x4096xf32, #tpu.memory_space<vmem>>, vector<512x128xf32>
      %add3A_505 = arith.constant 2.816000e+03 : f32
      %add3A_506 = vector.broadcast %add3A_505 : f32 to vector<512x128xf32>
      %add3A_507 = arith.addf %convert_element_type3A_38, %add3A_506 : vector<512x128xf32>
      %lt3A_508 = arith.cmpf olt, %get3A_504, %select_n3A_490 : vector<512x128xf32>
      %select_n3A_509 = arith.select %lt3A_508, %select_n3A_490, %get3A_504 : vector<512x128xi1>, vector<512x128xf32>
      %select_n3A_510 = arith.select %lt3A_508, %select_n3A_491, %add3A_507 : vector<512x128xi1>, vector<512x128xf32>
      %select_n3A_511 = arith.select %lt3A_508, %get3A_504, %select_n3A_490 : vector<512x128xi1>, vector<512x128xf32>
      %select_n3A_512 = arith.select %lt3A_508, %add3A_507, %select_n3A_491 : vector<512x128xi1>, vector<512x128xf32>
      %lt3A_513 = arith.cmpf olt, %select_n3A_509, %select_n3A_495 : vector<512x128xf32>
      %select_n3A_514 = arith.select %lt3A_513, %select_n3A_495, %select_n3A_509 : vector<512x128xi1>, vector<512x128xf32>
      %select_n3A_515 = arith.select %lt3A_513, %select_n3A_496, %select_n3A_510 : vector<512x128xi1>, vector<512x128xf32>
      %select_n3A_516 = arith.select %lt3A_513, %select_n3A_509, %select_n3A_495 : vector<512x128xi1>, vector<512x128xf32>
      %select_n3A_517 = arith.select %lt3A_513, %select_n3A_510, %select_n3A_496 : vector<512x128xi1>, vector<512x128xf32>
      %lt3A_518 = arith.cmpf olt, %select_n3A_514, %select_n3A_499 : vector<512x128xf32>
      %select_n3A_519 = arith.select %lt3A_518, %select_n3A_499, %select_n3A_514 : vector<512x128xi1>, vector<512x128xf32>
      %select_n3A_520 = arith.select %lt3A_518, %select_n3A_514, %select_n3A_499 : vector<512x128xi1>, vector<512x128xf32>
      %select_n3A_521 = arith.select %lt3A_518, %select_n3A_515, %select_n3A_500 : vector<512x128xi1>, vector<512x128xf32>
      %min3A_522 = arith.minimumf %min3A_501, %select_n3A_519 : vector<512x128xf32>
      %get3A_523 = arith.constant 0 : index
      %get3A_524 = arith.constant 2944 : index
      %get3A_525 = vector.load %arg7[%get3A_523, %get3A_524] : memref<512x4096xf32, #tpu.memory_space<vmem>>, vector<512x128xf32>
      %add3A_526 = arith.constant 2.944000e+03 : f32
      %add3A_527 = vector.broadcast %add3A_526 : f32 to vector<512x128xf32>
      %add3A_528 = arith.addf %convert_element_type3A_38, %add3A_527 : vector<512x128xf32>
      %lt3A_529 = arith.cmpf olt, %get3A_525, %select_n3A_511 : vector<512x128xf32>
      %select_n3A_530 = arith.select %lt3A_529, %select_n3A_511, %get3A_525 : vector<512x128xi1>, vector<512x128xf32>
      %select_n3A_531 = arith.select %lt3A_529, %select_n3A_512, %add3A_528 : vector<512x128xi1>, vector<512x128xf32>
      %select_n3A_532 = arith.select %lt3A_529, %get3A_525, %select_n3A_511 : vector<512x128xi1>, vector<512x128xf32>
      %select_n3A_533 = arith.select %lt3A_529, %add3A_528, %select_n3A_512 : vector<512x128xi1>, vector<512x128xf32>
      %lt3A_534 = arith.cmpf olt, %select_n3A_530, %select_n3A_516 : vector<512x128xf32>
      %select_n3A_535 = arith.select %lt3A_534, %select_n3A_516, %select_n3A_530 : vector<512x128xi1>, vector<512x128xf32>
      %select_n3A_536 = arith.select %lt3A_534, %select_n3A_517, %select_n3A_531 : vector<512x128xi1>, vector<512x128xf32>
      %select_n3A_537 = arith.select %lt3A_534, %select_n3A_530, %select_n3A_516 : vector<512x128xi1>, vector<512x128xf32>
      %select_n3A_538 = arith.select %lt3A_534, %select_n3A_531, %select_n3A_517 : vector<512x128xi1>, vector<512x128xf32>
      %lt3A_539 = arith.cmpf olt, %select_n3A_535, %select_n3A_520 : vector<512x128xf32>
      %select_n3A_540 = arith.select %lt3A_539, %select_n3A_520, %select_n3A_535 : vector<512x128xi1>, vector<512x128xf32>
      %select_n3A_541 = arith.select %lt3A_539, %select_n3A_535, %select_n3A_520 : vector<512x128xi1>, vector<512x128xf32>
      %select_n3A_542 = arith.select %lt3A_539, %select_n3A_536, %select_n3A_521 : vector<512x128xi1>, vector<512x128xf32>
      %min3A_543 = arith.minimumf %min3A_522, %select_n3A_540 : vector<512x128xf32>
      %get3A_544 = arith.constant 0 : index
      %get3A_545 = arith.constant 3072 : index
      %get3A_546 = vector.load %arg7[%get3A_544, %get3A_545] : memref<512x4096xf32, #tpu.memory_space<vmem>>, vector<512x128xf32>
      %add3A_547 = arith.constant 3.072000e+03 : f32
      %add3A_548 = vector.broadcast %add3A_547 : f32 to vector<512x128xf32>
      %add3A_549 = arith.addf %convert_element_type3A_38, %add3A_548 : vector<512x128xf32>
      %lt3A_550 = arith.cmpf olt, %get3A_546, %select_n3A_532 : vector<512x128xf32>
      %select_n3A_551 = arith.select %lt3A_550, %select_n3A_532, %get3A_546 : vector<512x128xi1>, vector<512x128xf32>
      %select_n3A_552 = arith.select %lt3A_550, %select_n3A_533, %add3A_549 : vector<512x128xi1>, vector<512x128xf32>
      %select_n3A_553 = arith.select %lt3A_550, %get3A_546, %select_n3A_532 : vector<512x128xi1>, vector<512x128xf32>
      %select_n3A_554 = arith.select %lt3A_550, %add3A_549, %select_n3A_533 : vector<512x128xi1>, vector<512x128xf32>
      %lt3A_555 = arith.cmpf olt, %select_n3A_551, %select_n3A_537 : vector<512x128xf32>
      %select_n3A_556 = arith.select %lt3A_555, %select_n3A_537, %select_n3A_551 : vector<512x128xi1>, vector<512x128xf32>
      %select_n3A_557 = arith.select %lt3A_555, %select_n3A_538, %select_n3A_552 : vector<512x128xi1>, vector<512x128xf32>
      %select_n3A_558 = arith.select %lt3A_555, %select_n3A_551, %select_n3A_537 : vector<512x128xi1>, vector<512x128xf32>
      %select_n3A_559 = arith.select %lt3A_555, %select_n3A_552, %select_n3A_538 : vector<512x128xi1>, vector<512x128xf32>
      %lt3A_560 = arith.cmpf olt, %select_n3A_556, %select_n3A_541 : vector<512x128xf32>
      %select_n3A_561 = arith.select %lt3A_560, %select_n3A_541, %select_n3A_556 : vector<512x128xi1>, vector<512x128xf32>
      %select_n3A_562 = arith.select %lt3A_560, %select_n3A_556, %select_n3A_541 : vector<512x128xi1>, vector<512x128xf32>
      %select_n3A_563 = arith.select %lt3A_560, %select_n3A_557, %select_n3A_542 : vector<512x128xi1>, vector<512x128xf32>
      %min3A_564 = arith.minimumf %min3A_543, %select_n3A_561 : vector<512x128xf32>
      %get3A_565 = arith.constant 0 : index
      %get3A_566 = arith.constant 3200 : index
      %get3A_567 = vector.load %arg7[%get3A_565, %get3A_566] : memref<512x4096xf32, #tpu.memory_space<vmem>>, vector<512x128xf32>
      %add3A_568 = arith.constant 3.200000e+03 : f32
      %add3A_569 = vector.broadcast %add3A_568 : f32 to vector<512x128xf32>
      %add3A_570 = arith.addf %convert_element_type3A_38, %add3A_569 : vector<512x128xf32>
      %lt3A_571 = arith.cmpf olt, %get3A_567, %select_n3A_553 : vector<512x128xf32>
      %select_n3A_572 = arith.select %lt3A_571, %select_n3A_553, %get3A_567 : vector<512x128xi1>, vector<512x128xf32>
      %select_n3A_573 = arith.select %lt3A_571, %select_n3A_554, %add3A_570 : vector<512x128xi1>, vector<512x128xf32>
      %select_n3A_574 = arith.select %lt3A_571, %get3A_567, %select_n3A_553 : vector<512x128xi1>, vector<512x128xf32>
      %select_n3A_575 = arith.select %lt3A_571, %add3A_570, %select_n3A_554 : vector<512x128xi1>, vector<512x128xf32>
      %lt3A_576 = arith.cmpf olt, %select_n3A_572, %select_n3A_558 : vector<512x128xf32>
      %select_n3A_577 = arith.select %lt3A_576, %select_n3A_558, %select_n3A_572 : vector<512x128xi1>, vector<512x128xf32>
      %select_n3A_578 = arith.select %lt3A_576, %select_n3A_559, %select_n3A_573 : vector<512x128xi1>, vector<512x128xf32>
      %select_n3A_579 = arith.select %lt3A_576, %select_n3A_572, %select_n3A_558 : vector<512x128xi1>, vector<512x128xf32>
      %select_n3A_580 = arith.select %lt3A_576, %select_n3A_573, %select_n3A_559 : vector<512x128xi1>, vector<512x128xf32>
      %lt3A_581 = arith.cmpf olt, %select_n3A_577, %select_n3A_562 : vector<512x128xf32>
      %select_n3A_582 = arith.select %lt3A_581, %select_n3A_562, %select_n3A_577 : vector<512x128xi1>, vector<512x128xf32>
      %select_n3A_583 = arith.select %lt3A_581, %select_n3A_577, %select_n3A_562 : vector<512x128xi1>, vector<512x128xf32>
      %select_n3A_584 = arith.select %lt3A_581, %select_n3A_578, %select_n3A_563 : vector<512x128xi1>, vector<512x128xf32>
      %min3A_585 = arith.minimumf %min3A_564, %select_n3A_582 : vector<512x128xf32>
      %get3A_586 = arith.constant 0 : index
      %get3A_587 = arith.constant 3328 : index
      %get3A_588 = vector.load %arg7[%get3A_586, %get3A_587] : memref<512x4096xf32, #tpu.memory_space<vmem>>, vector<512x128xf32>
      %add3A_589 = arith.constant 3.328000e+03 : f32
      %add3A_590 = vector.broadcast %add3A_589 : f32 to vector<512x128xf32>
      %add3A_591 = arith.addf %convert_element_type3A_38, %add3A_590 : vector<512x128xf32>
      %lt3A_592 = arith.cmpf olt, %get3A_588, %select_n3A_574 : vector<512x128xf32>
      %select_n3A_593 = arith.select %lt3A_592, %select_n3A_574, %get3A_588 : vector<512x128xi1>, vector<512x128xf32>
      %select_n3A_594 = arith.select %lt3A_592, %select_n3A_575, %add3A_591 : vector<512x128xi1>, vector<512x128xf32>
      %select_n3A_595 = arith.select %lt3A_592, %get3A_588, %select_n3A_574 : vector<512x128xi1>, vector<512x128xf32>
      %select_n3A_596 = arith.select %lt3A_592, %add3A_591, %select_n3A_575 : vector<512x128xi1>, vector<512x128xf32>
      %lt3A_597 = arith.cmpf olt, %select_n3A_593, %select_n3A_579 : vector<512x128xf32>
      %select_n3A_598 = arith.select %lt3A_597, %select_n3A_579, %select_n3A_593 : vector<512x128xi1>, vector<512x128xf32>
      %select_n3A_599 = arith.select %lt3A_597, %select_n3A_580, %select_n3A_594 : vector<512x128xi1>, vector<512x128xf32>
      %select_n3A_600 = arith.select %lt3A_597, %select_n3A_593, %select_n3A_579 : vector<512x128xi1>, vector<512x128xf32>
      %select_n3A_601 = arith.select %lt3A_597, %select_n3A_594, %select_n3A_580 : vector<512x128xi1>, vector<512x128xf32>
      %lt3A_602 = arith.cmpf olt, %select_n3A_598, %select_n3A_583 : vector<512x128xf32>
      %select_n3A_603 = arith.select %lt3A_602, %select_n3A_583, %select_n3A_598 : vector<512x128xi1>, vector<512x128xf32>
      %select_n3A_604 = arith.select %lt3A_602, %select_n3A_598, %select_n3A_583 : vector<512x128xi1>, vector<512x128xf32>
      %select_n3A_605 = arith.select %lt3A_602, %select_n3A_599, %select_n3A_584 : vector<512x128xi1>, vector<512x128xf32>
      %min3A_606 = arith.minimumf %min3A_585, %select_n3A_603 : vector<512x128xf32>
      %get3A_607 = arith.constant 0 : index
      %get3A_608 = arith.constant 3456 : index
      %get3A_609 = vector.load %arg7[%get3A_607, %get3A_608] : memref<512x4096xf32, #tpu.memory_space<vmem>>, vector<512x128xf32>
      %add3A_610 = arith.constant 3.456000e+03 : f32
      %add3A_611 = vector.broadcast %add3A_610 : f32 to vector<512x128xf32>
      %add3A_612 = arith.addf %convert_element_type3A_38, %add3A_611 : vector<512x128xf32>
      %lt3A_613 = arith.cmpf olt, %get3A_609, %select_n3A_595 : vector<512x128xf32>
      %select_n3A_614 = arith.select %lt3A_613, %select_n3A_595, %get3A_609 : vector<512x128xi1>, vector<512x128xf32>
      %select_n3A_615 = arith.select %lt3A_613, %select_n3A_596, %add3A_612 : vector<512x128xi1>, vector<512x128xf32>
      %select_n3A_616 = arith.select %lt3A_613, %get3A_609, %select_n3A_595 : vector<512x128xi1>, vector<512x128xf32>
      %select_n3A_617 = arith.select %lt3A_613, %add3A_612, %select_n3A_596 : vector<512x128xi1>, vector<512x128xf32>
      %lt3A_618 = arith.cmpf olt, %select_n3A_614, %select_n3A_600 : vector<512x128xf32>
      %select_n3A_619 = arith.select %lt3A_618, %select_n3A_600, %select_n3A_614 : vector<512x128xi1>, vector<512x128xf32>
      %select_n3A_620 = arith.select %lt3A_618, %select_n3A_601, %select_n3A_615 : vector<512x128xi1>, vector<512x128xf32>
      %select_n3A_621 = arith.select %lt3A_618, %select_n3A_614, %select_n3A_600 : vector<512x128xi1>, vector<512x128xf32>
      %select_n3A_622 = arith.select %lt3A_618, %select_n3A_615, %select_n3A_601 : vector<512x128xi1>, vector<512x128xf32>
      %lt3A_623 = arith.cmpf olt, %select_n3A_619, %select_n3A_604 : vector<512x128xf32>
      %select_n3A_624 = arith.select %lt3A_623, %select_n3A_604, %select_n3A_619 : vector<512x128xi1>, vector<512x128xf32>
      %select_n3A_625 = arith.select %lt3A_623, %select_n3A_619, %select_n3A_604 : vector<512x128xi1>, vector<512x128xf32>
      %select_n3A_626 = arith.select %lt3A_623, %select_n3A_620, %select_n3A_605 : vector<512x128xi1>, vector<512x128xf32>
      %min3A_627 = arith.minimumf %min3A_606, %select_n3A_624 : vector<512x128xf32>
      %get3A_628 = arith.constant 0 : index
      %get3A_629 = arith.constant 3584 : index
      %get3A_630 = vector.load %arg7[%get3A_628, %get3A_629] : memref<512x4096xf32, #tpu.memory_space<vmem>>, vector<512x128xf32>
      %add3A_631 = arith.constant 3.584000e+03 : f32
      %add3A_632 = vector.broadcast %add3A_631 : f32 to vector<512x128xf32>
      %add3A_633 = arith.addf %convert_element_type3A_38, %add3A_632 : vector<512x128xf32>
      %lt3A_634 = arith.cmpf olt, %get3A_630, %select_n3A_616 : vector<512x128xf32>
      %select_n3A_635 = arith.select %lt3A_634, %select_n3A_616, %get3A_630 : vector<512x128xi1>, vector<512x128xf32>
      %select_n3A_636 = arith.select %lt3A_634, %select_n3A_617, %add3A_633 : vector<512x128xi1>, vector<512x128xf32>
      %select_n3A_637 = arith.select %lt3A_634, %get3A_630, %select_n3A_616 : vector<512x128xi1>, vector<512x128xf32>
      %select_n3A_638 = arith.select %lt3A_634, %add3A_633, %select_n3A_617 : vector<512x128xi1>, vector<512x128xf32>
      %lt3A_639 = arith.cmpf olt, %select_n3A_635, %select_n3A_621 : vector<512x128xf32>
      %select_n3A_640 = arith.select %lt3A_639, %select_n3A_621, %select_n3A_635 : vector<512x128xi1>, vector<512x128xf32>
      %select_n3A_641 = arith.select %lt3A_639, %select_n3A_622, %select_n3A_636 : vector<512x128xi1>, vector<512x128xf32>
      %select_n3A_642 = arith.select %lt3A_639, %select_n3A_635, %select_n3A_621 : vector<512x128xi1>, vector<512x128xf32>
      %select_n3A_643 = arith.select %lt3A_639, %select_n3A_636, %select_n3A_622 : vector<512x128xi1>, vector<512x128xf32>
      %lt3A_644 = arith.cmpf olt, %select_n3A_640, %select_n3A_625 : vector<512x128xf32>
      %select_n3A_645 = arith.select %lt3A_644, %select_n3A_625, %select_n3A_640 : vector<512x128xi1>, vector<512x128xf32>
      %select_n3A_646 = arith.select %lt3A_644, %select_n3A_640, %select_n3A_625 : vector<512x128xi1>, vector<512x128xf32>
      %select_n3A_647 = arith.select %lt3A_644, %select_n3A_641, %select_n3A_626 : vector<512x128xi1>, vector<512x128xf32>
      %min3A_648 = arith.minimumf %min3A_627, %select_n3A_645 : vector<512x128xf32>
      %get3A_649 = arith.constant 0 : index
      %get3A_650 = arith.constant 3712 : index
      %get3A_651 = vector.load %arg7[%get3A_649, %get3A_650] : memref<512x4096xf32, #tpu.memory_space<vmem>>, vector<512x128xf32>
      %add3A_652 = arith.constant 3.712000e+03 : f32
      %add3A_653 = vector.broadcast %add3A_652 : f32 to vector<512x128xf32>
      %add3A_654 = arith.addf %convert_element_type3A_38, %add3A_653 : vector<512x128xf32>
      %lt3A_655 = arith.cmpf olt, %get3A_651, %select_n3A_637 : vector<512x128xf32>
      %select_n3A_656 = arith.select %lt3A_655, %select_n3A_637, %get3A_651 : vector<512x128xi1>, vector<512x128xf32>
      %select_n3A_657 = arith.select %lt3A_655, %select_n3A_638, %add3A_654 : vector<512x128xi1>, vector<512x128xf32>
      %select_n3A_658 = arith.select %lt3A_655, %get3A_651, %select_n3A_637 : vector<512x128xi1>, vector<512x128xf32>
      %select_n3A_659 = arith.select %lt3A_655, %add3A_654, %select_n3A_638 : vector<512x128xi1>, vector<512x128xf32>
      %lt3A_660 = arith.cmpf olt, %select_n3A_656, %select_n3A_642 : vector<512x128xf32>
      %select_n3A_661 = arith.select %lt3A_660, %select_n3A_642, %select_n3A_656 : vector<512x128xi1>, vector<512x128xf32>
      %select_n3A_662 = arith.select %lt3A_660, %select_n3A_643, %select_n3A_657 : vector<512x128xi1>, vector<512x128xf32>
      %select_n3A_663 = arith.select %lt3A_660, %select_n3A_656, %select_n3A_642 : vector<512x128xi1>, vector<512x128xf32>
      %select_n3A_664 = arith.select %lt3A_660, %select_n3A_657, %select_n3A_643 : vector<512x128xi1>, vector<512x128xf32>
      %lt3A_665 = arith.cmpf olt, %select_n3A_661, %select_n3A_646 : vector<512x128xf32>
      %select_n3A_666 = arith.select %lt3A_665, %select_n3A_646, %select_n3A_661 : vector<512x128xi1>, vector<512x128xf32>
      %select_n3A_667 = arith.select %lt3A_665, %select_n3A_661, %select_n3A_646 : vector<512x128xi1>, vector<512x128xf32>
      %select_n3A_668 = arith.select %lt3A_665, %select_n3A_662, %select_n3A_647 : vector<512x128xi1>, vector<512x128xf32>
      %min3A_669 = arith.minimumf %min3A_648, %select_n3A_666 : vector<512x128xf32>
      %get3A_670 = arith.constant 0 : index
      %get3A_671 = arith.constant 3840 : index
      %get3A_672 = vector.load %arg7[%get3A_670, %get3A_671] : memref<512x4096xf32, #tpu.memory_space<vmem>>, vector<512x128xf32>
      %add3A_673 = arith.constant 3.840000e+03 : f32
      %add3A_674 = vector.broadcast %add3A_673 : f32 to vector<512x128xf32>
      %add3A_675 = arith.addf %convert_element_type3A_38, %add3A_674 : vector<512x128xf32>
      %lt3A_676 = arith.cmpf olt, %get3A_672, %select_n3A_658 : vector<512x128xf32>
      %select_n3A_677 = arith.select %lt3A_676, %select_n3A_658, %get3A_672 : vector<512x128xi1>, vector<512x128xf32>
      %select_n3A_678 = arith.select %lt3A_676, %select_n3A_659, %add3A_675 : vector<512x128xi1>, vector<512x128xf32>
      %select_n3A_679 = arith.select %lt3A_676, %get3A_672, %select_n3A_658 : vector<512x128xi1>, vector<512x128xf32>
      %select_n3A_680 = arith.select %lt3A_676, %add3A_675, %select_n3A_659 : vector<512x128xi1>, vector<512x128xf32>
      %lt3A_681 = arith.cmpf olt, %select_n3A_677, %select_n3A_663 : vector<512x128xf32>
      %select_n3A_682 = arith.select %lt3A_681, %select_n3A_663, %select_n3A_677 : vector<512x128xi1>, vector<512x128xf32>
      %select_n3A_683 = arith.select %lt3A_681, %select_n3A_664, %select_n3A_678 : vector<512x128xi1>, vector<512x128xf32>
      %select_n3A_684 = arith.select %lt3A_681, %select_n3A_677, %select_n3A_663 : vector<512x128xi1>, vector<512x128xf32>
      %select_n3A_685 = arith.select %lt3A_681, %select_n3A_678, %select_n3A_664 : vector<512x128xi1>, vector<512x128xf32>
      %lt3A_686 = arith.cmpf olt, %select_n3A_682, %select_n3A_667 : vector<512x128xf32>
      %select_n3A_687 = arith.select %lt3A_686, %select_n3A_667, %select_n3A_682 : vector<512x128xi1>, vector<512x128xf32>
      %select_n3A_688 = arith.select %lt3A_686, %select_n3A_682, %select_n3A_667 : vector<512x128xi1>, vector<512x128xf32>
      %select_n3A_689 = arith.select %lt3A_686, %select_n3A_683, %select_n3A_668 : vector<512x128xi1>, vector<512x128xf32>
      %min3A_690 = arith.minimumf %min3A_669, %select_n3A_687 : vector<512x128xf32>
      %get3A_691 = arith.constant 0 : index
      %get3A_692 = arith.constant 3968 : index
      %get3A_693 = vector.load %arg7[%get3A_691, %get3A_692] : memref<512x4096xf32, #tpu.memory_space<vmem>>, vector<512x128xf32>
      %add3A_694 = arith.constant 3.968000e+03 : f32
      %add3A_695 = vector.broadcast %add3A_694 : f32 to vector<512x128xf32>
      %add3A_696 = arith.addf %convert_element_type3A_38, %add3A_695 : vector<512x128xf32>
      %lt3A_697 = arith.cmpf olt, %get3A_693, %select_n3A_679 : vector<512x128xf32>
      %select_n3A_698 = arith.select %lt3A_697, %select_n3A_679, %get3A_693 : vector<512x128xi1>, vector<512x128xf32>
      %select_n3A_699 = arith.select %lt3A_697, %select_n3A_680, %add3A_696 : vector<512x128xi1>, vector<512x128xf32>
      %select_n3A_700 = arith.select %lt3A_697, %get3A_693, %select_n3A_679 : vector<512x128xi1>, vector<512x128xf32>
      %select_n3A_701 = arith.select %lt3A_697, %add3A_696, %select_n3A_680 : vector<512x128xi1>, vector<512x128xf32>
      %lt3A_702 = arith.cmpf olt, %select_n3A_698, %select_n3A_684 : vector<512x128xf32>
      %select_n3A_703 = arith.select %lt3A_702, %select_n3A_684, %select_n3A_698 : vector<512x128xi1>, vector<512x128xf32>
      %select_n3A_704 = arith.select %lt3A_702, %select_n3A_685, %select_n3A_699 : vector<512x128xi1>, vector<512x128xf32>
      %select_n3A_705 = arith.select %lt3A_702, %select_n3A_698, %select_n3A_684 : vector<512x128xi1>, vector<512x128xf32>
      %select_n3A_706 = arith.select %lt3A_702, %select_n3A_699, %select_n3A_685 : vector<512x128xi1>, vector<512x128xf32>
      %lt3A_707 = arith.cmpf olt, %select_n3A_703, %select_n3A_688 : vector<512x128xf32>
      %select_n3A_708 = arith.select %lt3A_707, %select_n3A_688, %select_n3A_703 : vector<512x128xi1>, vector<512x128xf32>
      %select_n3A_709 = arith.select %lt3A_707, %select_n3A_703, %select_n3A_688 : vector<512x128xi1>, vector<512x128xf32>
      %select_n3A_710 = arith.select %lt3A_707, %select_n3A_704, %select_n3A_689 : vector<512x128xi1>, vector<512x128xf32>
      %min3A_711 = arith.minimumf %min3A_690, %select_n3A_708 : vector<512x128xf32>
      %reduce_min3A = arith.constant dense<0x7F800000> : vector<512xf32>
      %reduce_min3A_712 = vector.multi_reduction <minimumf>, %select_n3A_700, %reduce_min3A [1] : vector<512x128xf32> to vector<512xf32>
      %broadcast_in_dim3A_713 = vector.shape_cast %reduce_min3A_712 : vector<512xf32> to vector<512x1xf32>
      %eq3A_714 = vector.broadcast %broadcast_in_dim3A_713 : vector<512x1xf32> to vector<512x128xf32>
      %eq3A_715 = arith.cmpf oeq, %select_n3A_700, %eq3A_714 : vector<512x128xf32>
      %jit3A = arith.constant 4.096000e+03 : f32
      %broadcast_in_dim3A_716 = vector.broadcast %jit3A : f32 to vector<512x128xf32>
      %select_n3A_717 = arith.select %eq3A_715, %select_n3A_701, %broadcast_in_dim3A_716 : vector<512x128xi1>, vector<512x128xf32>
      %reduce_min3A_718 = arith.constant dense<0x7F800000> : vector<512xf32>
      %reduce_min3A_719 = vector.multi_reduction <minimumf>, %select_n3A_717, %reduce_min3A_718 [1] : vector<512x128xf32> to vector<512xf32>
      %broadcast_in_dim3A_720 = vector.shape_cast %reduce_min3A_719 : vector<512xf32> to vector<512x1xf32>
      %eq3A_721 = vector.broadcast %broadcast_in_dim3A_720 : vector<512x1xf32> to vector<512x128xf32>
      %eq3A_722 = arith.cmpf oeq, %select_n3A_701, %eq3A_721 : vector<512x128xf32>
      %select_n3A_723 = arith.select %eq3A_722, %select_n3A_705, %select_n3A_700 : vector<512x128xi1>, vector<512x128xf32>
      %select_n3A_724 = arith.select %eq3A_722, %select_n3A_706, %select_n3A_701 : vector<512x128xi1>, vector<512x128xf32>
      %select_n3A_725 = arith.select %eq3A_722, %select_n3A_709, %select_n3A_705 : vector<512x128xi1>, vector<512x128xf32>
      %select_n3A_726 = arith.select %eq3A_722, %select_n3A_710, %select_n3A_706 : vector<512x128xi1>, vector<512x128xf32>
      %jit3A_727 = arith.constant 0x7F800000 : f32
      %broadcast_in_dim3A_728 = vector.broadcast %jit3A_727 : f32 to vector<512x128xf32>
      %select_n3A_729 = arith.select %eq3A_722, %broadcast_in_dim3A_728, %select_n3A_709 : vector<512x128xi1>, vector<512x128xf32>
      %reduce_min3A_730 = arith.constant dense<0x7F800000> : vector<512xf32>
      %reduce_min3A_731 = vector.multi_reduction <minimumf>, %select_n3A_723, %reduce_min3A_730 [1] : vector<512x128xf32> to vector<512xf32>
      %broadcast_in_dim3A_732 = vector.shape_cast %reduce_min3A_731 : vector<512xf32> to vector<512x1xf32>
      %eq3A_733 = vector.broadcast %broadcast_in_dim3A_732 : vector<512x1xf32> to vector<512x128xf32>
      %eq3A_734 = arith.cmpf oeq, %select_n3A_723, %eq3A_733 : vector<512x128xf32>
      %jit3A_735 = arith.constant 4.096000e+03 : f32
      %broadcast_in_dim3A_736 = vector.broadcast %jit3A_735 : f32 to vector<512x128xf32>
      %select_n3A_737 = arith.select %eq3A_734, %select_n3A_724, %broadcast_in_dim3A_736 : vector<512x128xi1>, vector<512x128xf32>
      %reduce_min3A_738 = arith.constant dense<0x7F800000> : vector<512xf32>
      %reduce_min3A_739 = vector.multi_reduction <minimumf>, %select_n3A_737, %reduce_min3A_738 [1] : vector<512x128xf32> to vector<512xf32>
      %broadcast_in_dim3A_740 = vector.shape_cast %reduce_min3A_739 : vector<512xf32> to vector<512x1xf32>
      %eq3A_741 = vector.broadcast %broadcast_in_dim3A_740 : vector<512x1xf32> to vector<512x128xf32>
      %eq3A_742 = arith.cmpf oeq, %select_n3A_724, %eq3A_741 : vector<512x128xf32>
      %select_n3A_743 = arith.select %eq3A_742, %select_n3A_725, %select_n3A_723 : vector<512x128xi1>, vector<512x128xf32>
      %select_n3A_744 = arith.select %eq3A_742, %select_n3A_726, %select_n3A_724 : vector<512x128xi1>, vector<512x128xf32>
      %select_n3A_745 = arith.select %eq3A_742, %select_n3A_729, %select_n3A_725 : vector<512x128xi1>, vector<512x128xf32>
      %select_n3A_746 = arith.select %eq3A_742, %select_n3A_710, %select_n3A_726 : vector<512x128xi1>, vector<512x128xf32>
      %jit3A_747 = arith.constant 0x7F800000 : f32
      %broadcast_in_dim3A_748 = vector.broadcast %jit3A_747 : f32 to vector<512x128xf32>
      %select_n3A_749 = arith.select %eq3A_742, %broadcast_in_dim3A_748, %select_n3A_729 : vector<512x128xi1>, vector<512x128xf32>
      %reduce_min3A_750 = arith.constant dense<0x7F800000> : vector<512xf32>
      %reduce_min3A_751 = vector.multi_reduction <minimumf>, %select_n3A_743, %reduce_min3A_750 [1] : vector<512x128xf32> to vector<512xf32>
      %broadcast_in_dim3A_752 = vector.shape_cast %reduce_min3A_751 : vector<512xf32> to vector<512x1xf32>
      %eq3A_753 = vector.broadcast %broadcast_in_dim3A_752 : vector<512x1xf32> to vector<512x128xf32>
      %eq3A_754 = arith.cmpf oeq, %select_n3A_743, %eq3A_753 : vector<512x128xf32>
      %jit3A_755 = arith.constant 4.096000e+03 : f32
      %broadcast_in_dim3A_756 = vector.broadcast %jit3A_755 : f32 to vector<512x128xf32>
      %select_n3A_757 = arith.select %eq3A_754, %select_n3A_744, %broadcast_in_dim3A_756 : vector<512x128xi1>, vector<512x128xf32>
      %reduce_min3A_758 = arith.constant dense<0x7F800000> : vector<512xf32>
      %reduce_min3A_759 = vector.multi_reduction <minimumf>, %select_n3A_757, %reduce_min3A_758 [1] : vector<512x128xf32> to vector<512xf32>
      %broadcast_in_dim3A_760 = vector.shape_cast %reduce_min3A_759 : vector<512xf32> to vector<512x1xf32>
      %eq3A_761 = vector.broadcast %broadcast_in_dim3A_760 : vector<512x1xf32> to vector<512x128xf32>
      %eq3A_762 = arith.cmpf oeq, %select_n3A_744, %eq3A_761 : vector<512x128xf32>
      %select_n3A_763 = arith.select %eq3A_762, %select_n3A_745, %select_n3A_743 : vector<512x128xi1>, vector<512x128xf32>
      %select_n3A_764 = arith.select %eq3A_762, %select_n3A_746, %select_n3A_744 : vector<512x128xi1>, vector<512x128xf32>
      %select_n3A_765 = arith.select %eq3A_762, %select_n3A_749, %select_n3A_745 : vector<512x128xi1>, vector<512x128xf32>
      %select_n3A_766 = arith.select %eq3A_762, %select_n3A_710, %select_n3A_746 : vector<512x128xi1>, vector<512x128xf32>
      %jit3A_767 = arith.constant 0x7F800000 : f32
      %broadcast_in_dim3A_768 = vector.broadcast %jit3A_767 : f32 to vector<512x128xf32>
      %select_n3A_769 = arith.select %eq3A_762, %broadcast_in_dim3A_768, %select_n3A_749 : vector<512x128xi1>, vector<512x128xf32>
      %reduce_min3A_770 = arith.constant dense<0x7F800000> : vector<512xf32>
      %reduce_min3A_771 = vector.multi_reduction <minimumf>, %select_n3A_763, %reduce_min3A_770 [1] : vector<512x128xf32> to vector<512xf32>
      %broadcast_in_dim3A_772 = vector.shape_cast %reduce_min3A_771 : vector<512xf32> to vector<512x1xf32>
      %eq3A_773 = vector.broadcast %broadcast_in_dim3A_772 : vector<512x1xf32> to vector<512x128xf32>
      %eq3A_774 = arith.cmpf oeq, %select_n3A_763, %eq3A_773 : vector<512x128xf32>
      %jit3A_775 = arith.constant 4.096000e+03 : f32
      %broadcast_in_dim3A_776 = vector.broadcast %jit3A_775 : f32 to vector<512x128xf32>
      %select_n3A_777 = arith.select %eq3A_774, %select_n3A_764, %broadcast_in_dim3A_776 : vector<512x128xi1>, vector<512x128xf32>
      %reduce_min3A_778 = arith.constant dense<0x7F800000> : vector<512xf32>
      %reduce_min3A_779 = vector.multi_reduction <minimumf>, %select_n3A_777, %reduce_min3A_778 [1] : vector<512x128xf32> to vector<512xf32>
      %broadcast_in_dim3A_780 = vector.shape_cast %reduce_min3A_779 : vector<512xf32> to vector<512x1xf32>
      %eq3A_781 = vector.broadcast %broadcast_in_dim3A_780 : vector<512x1xf32> to vector<512x128xf32>
      %eq3A_782 = arith.cmpf oeq, %select_n3A_764, %eq3A_781 : vector<512x128xf32>
      %select_n3A_783 = arith.select %eq3A_782, %select_n3A_765, %select_n3A_763 : vector<512x128xi1>, vector<512x128xf32>
      %select_n3A_784 = arith.select %eq3A_782, %select_n3A_766, %select_n3A_764 : vector<512x128xi1>, vector<512x128xf32>
      %select_n3A_785 = arith.select %eq3A_782, %select_n3A_769, %select_n3A_765 : vector<512x128xi1>, vector<512x128xf32>
      %select_n3A_786 = arith.select %eq3A_782, %select_n3A_710, %select_n3A_766 : vector<512x128xi1>, vector<512x128xf32>
      %jit3A_787 = arith.constant 0x7F800000 : f32
      %broadcast_in_dim3A_788 = vector.broadcast %jit3A_787 : f32 to vector<512x128xf32>
      %select_n3A_789 = arith.select %eq3A_782, %broadcast_in_dim3A_788, %select_n3A_769 : vector<512x128xi1>, vector<512x128xf32>
      %reduce_min3A_790 = arith.constant dense<0x7F800000> : vector<512xf32>
      %reduce_min3A_791 = vector.multi_reduction <minimumf>, %select_n3A_783, %reduce_min3A_790 [1] : vector<512x128xf32> to vector<512xf32>
      %broadcast_in_dim3A_792 = vector.shape_cast %reduce_min3A_791 : vector<512xf32> to vector<512x1xf32>
      %eq3A_793 = vector.broadcast %broadcast_in_dim3A_792 : vector<512x1xf32> to vector<512x128xf32>
      %eq3A_794 = arith.cmpf oeq, %select_n3A_783, %eq3A_793 : vector<512x128xf32>
      %jit3A_795 = arith.constant 4.096000e+03 : f32
      %broadcast_in_dim3A_796 = vector.broadcast %jit3A_795 : f32 to vector<512x128xf32>
      %select_n3A_797 = arith.select %eq3A_794, %select_n3A_784, %broadcast_in_dim3A_796 : vector<512x128xi1>, vector<512x128xf32>
      %reduce_min3A_798 = arith.constant dense<0x7F800000> : vector<512xf32>
      %reduce_min3A_799 = vector.multi_reduction <minimumf>, %select_n3A_797, %reduce_min3A_798 [1] : vector<512x128xf32> to vector<512xf32>
      %broadcast_in_dim3A_800 = vector.shape_cast %reduce_min3A_799 : vector<512xf32> to vector<512x1xf32>
      %eq3A_801 = vector.broadcast %broadcast_in_dim3A_800 : vector<512x1xf32> to vector<512x128xf32>
      %eq3A_802 = arith.cmpf oeq, %select_n3A_784, %eq3A_801 : vector<512x128xf32>
      %select_n3A_803 = arith.select %eq3A_802, %select_n3A_785, %select_n3A_783 : vector<512x128xi1>, vector<512x128xf32>
      %select_n3A_804 = arith.select %eq3A_802, %select_n3A_786, %select_n3A_784 : vector<512x128xi1>, vector<512x128xf32>
      %select_n3A_805 = arith.select %eq3A_802, %select_n3A_789, %select_n3A_785 : vector<512x128xi1>, vector<512x128xf32>
      %select_n3A_806 = arith.select %eq3A_802, %select_n3A_710, %select_n3A_786 : vector<512x128xi1>, vector<512x128xf32>
      %jit3A_807 = arith.constant 0x7F800000 : f32
      %broadcast_in_dim3A_808 = vector.broadcast %jit3A_807 : f32 to vector<512x128xf32>
      %select_n3A_809 = arith.select %eq3A_802, %broadcast_in_dim3A_808, %select_n3A_789 : vector<512x128xi1>, vector<512x128xf32>
      %reduce_min3A_810 = arith.constant dense<0x7F800000> : vector<512xf32>
      %reduce_min3A_811 = vector.multi_reduction <minimumf>, %select_n3A_803, %reduce_min3A_810 [1] : vector<512x128xf32> to vector<512xf32>
      %broadcast_in_dim3A_812 = vector.shape_cast %reduce_min3A_811 : vector<512xf32> to vector<512x1xf32>
      %eq3A_813 = vector.broadcast %broadcast_in_dim3A_812 : vector<512x1xf32> to vector<512x128xf32>
      %eq3A_814 = arith.cmpf oeq, %select_n3A_803, %eq3A_813 : vector<512x128xf32>
      %jit3A_815 = arith.constant 4.096000e+03 : f32
      %broadcast_in_dim3A_816 = vector.broadcast %jit3A_815 : f32 to vector<512x128xf32>
      %select_n3A_817 = arith.select %eq3A_814, %select_n3A_804, %broadcast_in_dim3A_816 : vector<512x128xi1>, vector<512x128xf32>
      %reduce_min3A_818 = arith.constant dense<0x7F800000> : vector<512xf32>
      %reduce_min3A_819 = vector.multi_reduction <minimumf>, %select_n3A_817, %reduce_min3A_818 [1] : vector<512x128xf32> to vector<512xf32>
      %broadcast_in_dim3A_820 = vector.shape_cast %reduce_min3A_819 : vector<512xf32> to vector<512x1xf32>
      %eq3A_821 = vector.broadcast %broadcast_in_dim3A_820 : vector<512x1xf32> to vector<512x128xf32>
      %eq3A_822 = arith.cmpf oeq, %select_n3A_804, %eq3A_821 : vector<512x128xf32>
      %select_n3A_823 = arith.select %eq3A_822, %select_n3A_805, %select_n3A_803 : vector<512x128xi1>, vector<512x128xf32>
      %select_n3A_824 = arith.select %eq3A_822, %select_n3A_806, %select_n3A_804 : vector<512x128xi1>, vector<512x128xf32>
      %select_n3A_825 = arith.select %eq3A_822, %select_n3A_809, %select_n3A_805 : vector<512x128xi1>, vector<512x128xf32>
      %select_n3A_826 = arith.select %eq3A_822, %select_n3A_710, %select_n3A_806 : vector<512x128xi1>, vector<512x128xf32>
      %reduce_min3A_827 = arith.constant dense<0x7F800000> : vector<512xf32>
      %reduce_min3A_828 = vector.multi_reduction <minimumf>, %select_n3A_823, %reduce_min3A_827 [1] : vector<512x128xf32> to vector<512xf32>
      %broadcast_in_dim3A_829 = vector.shape_cast %reduce_min3A_828 : vector<512xf32> to vector<512x1xf32>
      %eq3A_830 = vector.broadcast %broadcast_in_dim3A_829 : vector<512x1xf32> to vector<512x128xf32>
      %eq3A_831 = arith.cmpf oeq, %select_n3A_823, %eq3A_830 : vector<512x128xf32>
      %jit3A_832 = arith.constant 4.096000e+03 : f32
      %broadcast_in_dim3A_833 = vector.broadcast %jit3A_832 : f32 to vector<512x128xf32>
      %select_n3A_834 = arith.select %eq3A_831, %select_n3A_824, %broadcast_in_dim3A_833 : vector<512x128xi1>, vector<512x128xf32>
      %reduce_min3A_835 = arith.constant dense<0x7F800000> : vector<512xf32>
      %reduce_min3A_836 = vector.multi_reduction <minimumf>, %select_n3A_834, %reduce_min3A_835 [1] : vector<512x128xf32> to vector<512xf32>
      %broadcast_in_dim3A_837 = vector.shape_cast %reduce_min3A_836 : vector<512xf32> to vector<512x1xf32>
      %eq3A_838 = vector.broadcast %broadcast_in_dim3A_837 : vector<512x1xf32> to vector<512x128xf32>
      %eq3A_839 = arith.cmpf oeq, %select_n3A_824, %eq3A_838 : vector<512x128xf32>
      %select_n3A_840 = arith.select %eq3A_839, %select_n3A_825, %select_n3A_823 : vector<512x128xi1>, vector<512x128xf32>
      %select_n3A_841 = arith.select %eq3A_839, %select_n3A_826, %select_n3A_824 : vector<512x128xi1>, vector<512x128xf32>
      %reduce_min3A_842 = arith.constant dense<0x7F800000> : vector<512xf32>
      %reduce_min3A_843 = vector.multi_reduction <minimumf>, %select_n3A_840, %reduce_min3A_842 [1] : vector<512x128xf32> to vector<512xf32>
      %broadcast_in_dim3A_844 = vector.shape_cast %reduce_min3A_843 : vector<512xf32> to vector<512x1xf32>
      %eq3A_845 = vector.broadcast %broadcast_in_dim3A_844 : vector<512x1xf32> to vector<512x128xf32>
      %eq3A_846 = arith.cmpf oeq, %select_n3A_840, %eq3A_845 : vector<512x128xf32>
      %jit3A_847 = arith.constant 4.096000e+03 : f32
      %broadcast_in_dim3A_848 = vector.broadcast %jit3A_847 : f32 to vector<512x128xf32>
      %select_n3A_849 = arith.select %eq3A_846, %select_n3A_841, %broadcast_in_dim3A_848 : vector<512x128xi1>, vector<512x128xf32>
      %reduce_min3A_850 = arith.constant dense<0x7F800000> : vector<512xf32>
      %reduce_min3A_851 = vector.multi_reduction <minimumf>, %select_n3A_849, %reduce_min3A_850 [1] : vector<512x128xf32> to vector<512xf32>
      %broadcast_in_dim3A_852 = vector.shape_cast %reduce_min3A_851 : vector<512xf32> to vector<512x1xf32>
      %concatenate3A = tpu.concatenate %broadcast_in_dim3A_713, %broadcast_in_dim3A_732, %broadcast_in_dim3A_752, %broadcast_in_dim3A_772, %broadcast_in_dim3A_792, %broadcast_in_dim3A_812, %broadcast_in_dim3A_829, %broadcast_in_dim3A_844 in 1 : vector<512x1xf32>, vector<512x1xf32>, vector<512x1xf32>, vector<512x1xf32>, vector<512x1xf32>, vector<512x1xf32>, vector<512x1xf32>, vector<512x1xf32> -> vector<512x8xf32>
      %swap3A = arith.constant 0 : index
      %swap3A_853 = arith.constant 0 : index
      %swap3A_854 = vector.load %arg5[%swap3A, %swap3A_853] : memref<512x8xf32, #tpu.memory_space<vmem>>, vector<512x8xf32>
      tpu.vector_store %arg5[%swap3A, %swap3A_853], %concatenate3A {strides = array<i32>} : memref<512x8xf32, #tpu.memory_space<vmem>>, vector<512x8xf32>,
      %concatenate3A_855 = tpu.concatenate %broadcast_in_dim3A_720, %broadcast_in_dim3A_740, %broadcast_in_dim3A_760, %broadcast_in_dim3A_780, %broadcast_in_dim3A_800, %broadcast_in_dim3A_820, %broadcast_in_dim3A_837, %broadcast_in_dim3A_852 in 1 : vector<512x1xf32>, vector<512x1xf32>, vector<512x1xf32>, vector<512x1xf32>, vector<512x1xf32>, vector<512x1xf32>, vector<512x1xf32>, vector<512x1xf32> -> vector<512x8xf32>
      %convert_element_type3A_856 = arith.fptosi %concatenate3A_855 : vector<512x8xf32> to vector<512x8xi32>
      %swap3A_857 = arith.constant 0 : index
      %swap3A_858 = arith.constant 0 : index
      %swap3A_859 = vector.load %arg6[%swap3A_857, %swap3A_858] : memref<512x8xi32, #tpu.memory_space<vmem>>, vector<512x8xi32>
      tpu.vector_store %arg6[%swap3A_857, %swap3A_858], %convert_element_type3A_856 {strides = array<i32>} : memref<512x8xi32, #tpu.memory_space<vmem>>, vector<512x8xi32>,
      %reduce_min3A_860 = arith.constant dense<0x7F800000> : vector<512xf32>
      %reduce_min3A_861 = vector.multi_reduction <minimumf>, %min3A_711, %reduce_min3A_860 [1] : vector<512x128xf32> to vector<512xf32>
      %broadcast_in_dim3A_862 = vector.shape_cast %reduce_min3A_861 : vector<512xf32> to vector<512x1xf32>
      %le3A = arith.cmpf ole, %broadcast_in_dim3A_862, %broadcast_in_dim3A_844 : vector<512x1xf32>
      %jit3A_863 = arith.constant 1.000000e+00 : f32
      %jit3A_864 = arith.constant 0.000000e+00 : f32
      %broadcast_in_dim3A_865 = vector.broadcast %jit3A_863 : f32 to vector<512x1xf32>
      %broadcast_in_dim3A_866 = vector.broadcast %jit3A_864 : f32 to vector<512x1xf32>
      %select_n3A_867 = arith.select %le3A, %broadcast_in_dim3A_865, %broadcast_in_dim3A_866 : vector<512x1xi1>, vector<512x1xf32>
      %reduce_max3A = vector.shape_cast %select_n3A_867 : vector<512x1xf32> to vector<1x512x1xf32>
      %reduce_max3A_868 = arith.constant dense<0xFF800000> : vector<1xf32>
      %reduce_max3A_869 = vector.multi_reduction <maximumf>, %reduce_max3A, %reduce_max3A_868 [1, 2] : vector<1x512x1xf32> to vector<1xf32>
      %reduce_max3A_870 = vector.shape_cast %reduce_max3A_869 : vector<1xf32> to vector<1x1x1xf32>
      %reduce_max3A_871 = vector.extract %reduce_max3A_870[0, 0, 0] : f32 from vector<1x1x1xf32>
      %gt3A = arith.constant 0.000000e+00 : f32
      %gt3A_872 = arith.cmpf ogt, %reduce_max3A_871, %gt3A : f32
      %convert_element_type3A_873 = arith.extui %gt3A_872 : i1 to i32
      %cond3A_874 = arith.constant 4.096000e+03 : f32
      %cond3A_875 = arith.constant 0x7F800000 : f32
      %cond3A_876 = arith.constant 0 : i32
      %cond3A_877 = arith.cmpi ne, %convert_element_type3A_873, %cond3A_876 : i32
      scf.if %cond3A_877 {
        %iota3A_878 = tpu.iota {dimensions = array<i32: 1>} : vector<512x4096xi32>
        %convert_element_type3A_879 = arith.sitofp %iota3A_878 : vector<512x4096xi32> to vector<512x4096xf32>
        %get3A_880 = arith.constant 0 : index
        %get3A_881 = arith.constant 0 : index
        %get3A_882 = vector.load %arg7[%get3A_880, %get3A_881] : memref<512x4096xf32, #tpu.memory_space<vmem>>, vector<512x4096xf32>
        %reduce_min3A_883 = arith.constant dense<0x7F800000> : vector<512xf32>
        %reduce_min3A_884 = vector.multi_reduction <minimumf>, %get3A_882, %reduce_min3A_883 [1] : vector<512x4096xf32> to vector<512xf32>
        %broadcast_in_dim3A_885 = vector.shape_cast %reduce_min3A_884 : vector<512xf32> to vector<512x1xf32>
        %eq3A_886 = vector.broadcast %broadcast_in_dim3A_885 : vector<512x1xf32> to vector<512x4096xf32>
        %eq3A_887 = arith.cmpf oeq, %get3A_882, %eq3A_886 : vector<512x4096xf32>
        %broadcast_in_dim3A_888 = vector.broadcast %cond3A_874 : f32 to vector<512x4096xf32>
        %select_n3A_889 = arith.select %eq3A_887, %convert_element_type3A_879, %broadcast_in_dim3A_888 : vector<512x4096xi1>, vector<512x4096xf32>
        %reduce_min3A_890 = arith.constant dense<0x7F800000> : vector<512xf32>
        %reduce_min3A_891 = vector.multi_reduction <minimumf>, %select_n3A_889, %reduce_min3A_890 [1] : vector<512x4096xf32> to vector<512xf32>
        %broadcast_in_dim3A_892 = vector.shape_cast %reduce_min3A_891 : vector<512xf32> to vector<512x1xf32>
        %eq3A_893 = vector.broadcast %broadcast_in_dim3A_892 : vector<512x1xf32> to vector<512x4096xf32>
        %eq3A_894 = arith.cmpf oeq, %convert_element_type3A_879, %eq3A_893 : vector<512x4096xf32>
        %broadcast_in_dim3A_895 = vector.broadcast %cond3A_875 : f32 to vector<512x4096xf32>
        %select_n3A_896 = arith.select %eq3A_894, %broadcast_in_dim3A_895, %get3A_882 : vector<512x4096xi1>, vector<512x4096xf32>
        %swap3A_897 = arith.constant 0 : index
        %swap3A_898 = arith.constant 0 : index
        %swap3A_899 = vector.load %arg7[%swap3A_897, %swap3A_898] : memref<512x4096xf32, #tpu.memory_space<vmem>>, vector<512x4096xf32>
        tpu.vector_store %arg7[%swap3A_897, %swap3A_898], %select_n3A_896 {strides = array<i32>} : memref<512x4096xf32, #tpu.memory_space<vmem>>, vector<512x4096xf32>,
        %get3A_900 = arith.constant 0 : index
        %get3A_901 = arith.constant 0 : index
        %get3A_902 = vector.load %arg7[%get3A_900, %get3A_901] : memref<512x4096xf32, #tpu.memory_space<vmem>>, vector<512x4096xf32>
        %reduce_min3A_903 = arith.constant dense<0x7F800000> : vector<512xf32>
        %reduce_min3A_904 = vector.multi_reduction <minimumf>, %get3A_902, %reduce_min3A_903 [1] : vector<512x4096xf32> to vector<512xf32>
        %broadcast_in_dim3A_905 = vector.shape_cast %reduce_min3A_904 : vector<512xf32> to vector<512x1xf32>
        %eq3A_906 = vector.broadcast %broadcast_in_dim3A_905 : vector<512x1xf32> to vector<512x4096xf32>
        %eq3A_907 = arith.cmpf oeq, %get3A_902, %eq3A_906 : vector<512x4096xf32>
        %broadcast_in_dim3A_908 = vector.broadcast %cond3A_874 : f32 to vector<512x4096xf32>
        %select_n3A_909 = arith.select %eq3A_907, %convert_element_type3A_879, %broadcast_in_dim3A_908 : vector<512x4096xi1>, vector<512x4096xf32>
        %reduce_min3A_910 = arith.constant dense<0x7F800000> : vector<512xf32>
        %reduce_min3A_911 = vector.multi_reduction <minimumf>, %select_n3A_909, %reduce_min3A_910 [1] : vector<512x4096xf32> to vector<512xf32>
        %broadcast_in_dim3A_912 = vector.shape_cast %reduce_min3A_911 : vector<512xf32> to vector<512x1xf32>
        %eq3A_913 = vector.broadcast %broadcast_in_dim3A_912 : vector<512x1xf32> to vector<512x4096xf32>
        %eq3A_914 = arith.cmpf oeq, %convert_element_type3A_879, %eq3A_913 : vector<512x4096xf32>
        %broadcast_in_dim3A_915 = vector.broadcast %cond3A_875 : f32 to vector<512x4096xf32>
        %select_n3A_916 = arith.select %eq3A_914, %broadcast_in_dim3A_915, %get3A_902 : vector<512x4096xi1>, vector<512x4096xf32>
        %swap3A_917 = arith.constant 0 : index
        %swap3A_918 = arith.constant 0 : index
        %swap3A_919 = vector.load %arg7[%swap3A_917, %swap3A_918] : memref<512x4096xf32, #tpu.memory_space<vmem>>, vector<512x4096xf32>
        tpu.vector_store %arg7[%swap3A_917, %swap3A_918], %select_n3A_916 {strides = array<i32>} : memref<512x4096xf32, #tpu.memory_space<vmem>>, vector<512x4096xf32>,
        %get3A_920 = arith.constant 0 : index
        %get3A_921 = arith.constant 0 : index
        %get3A_922 = vector.load %arg7[%get3A_920, %get3A_921] : memref<512x4096xf32, #tpu.memory_space<vmem>>, vector<512x4096xf32>
        %reduce_min3A_923 = arith.constant dense<0x7F800000> : vector<512xf32>
        %reduce_min3A_924 = vector.multi_reduction <minimumf>, %get3A_922, %reduce_min3A_923 [1] : vector<512x4096xf32> to vector<512xf32>
        %broadcast_in_dim3A_925 = vector.shape_cast %reduce_min3A_924 : vector<512xf32> to vector<512x1xf32>
        %eq3A_926 = vector.broadcast %broadcast_in_dim3A_925 : vector<512x1xf32> to vector<512x4096xf32>
        %eq3A_927 = arith.cmpf oeq, %get3A_922, %eq3A_926 : vector<512x4096xf32>
        %broadcast_in_dim3A_928 = vector.broadcast %cond3A_874 : f32 to vector<512x4096xf32>
        %select_n3A_929 = arith.select %eq3A_927, %convert_element_type3A_879, %broadcast_in_dim3A_928 : vector<512x4096xi1>, vector<512x4096xf32>
        %reduce_min3A_930 = arith.constant dense<0x7F800000> : vector<512xf32>
        %reduce_min3A_931 = vector.multi_reduction <minimumf>, %select_n3A_929, %reduce_min3A_930 [1] : vector<512x4096xf32> to vector<512xf32>
        %broadcast_in_dim3A_932 = vector.shape_cast %reduce_min3A_931 : vector<512xf32> to vector<512x1xf32>
        %eq3A_933 = vector.broadcast %broadcast_in_dim3A_932 : vector<512x1xf32> to vector<512x4096xf32>
        %eq3A_934 = arith.cmpf oeq, %convert_element_type3A_879, %eq3A_933 : vector<512x4096xf32>
        %broadcast_in_dim3A_935 = vector.broadcast %cond3A_875 : f32 to vector<512x4096xf32>
        %select_n3A_936 = arith.select %eq3A_934, %broadcast_in_dim3A_935, %get3A_922 : vector<512x4096xi1>, vector<512x4096xf32>
        %swap3A_937 = arith.constant 0 : index
        %swap3A_938 = arith.constant 0 : index
        %swap3A_939 = vector.load %arg7[%swap3A_937, %swap3A_938] : memref<512x4096xf32, #tpu.memory_space<vmem>>, vector<512x4096xf32>
        tpu.vector_store %arg7[%swap3A_937, %swap3A_938], %select_n3A_936 {strides = array<i32>} : memref<512x4096xf32, #tpu.memory_space<vmem>>, vector<512x4096xf32>,
        %get3A_940 = arith.constant 0 : index
        %get3A_941 = arith.constant 0 : index
        %get3A_942 = vector.load %arg7[%get3A_940, %get3A_941] : memref<512x4096xf32, #tpu.memory_space<vmem>>, vector<512x4096xf32>
        %reduce_min3A_943 = arith.constant dense<0x7F800000> : vector<512xf32>
        %reduce_min3A_944 = vector.multi_reduction <minimumf>, %get3A_942, %reduce_min3A_943 [1] : vector<512x4096xf32> to vector<512xf32>
        %broadcast_in_dim3A_945 = vector.shape_cast %reduce_min3A_944 : vector<512xf32> to vector<512x1xf32>
        %eq3A_946 = vector.broadcast %broadcast_in_dim3A_945 : vector<512x1xf32> to vector<512x4096xf32>
        %eq3A_947 = arith.cmpf oeq, %get3A_942, %eq3A_946 : vector<512x4096xf32>
        %broadcast_in_dim3A_948 = vector.broadcast %cond3A_874 : f32 to vector<512x4096xf32>
        %select_n3A_949 = arith.select %eq3A_947, %convert_element_type3A_879, %broadcast_in_dim3A_948 : vector<512x4096xi1>, vector<512x4096xf32>
        %reduce_min3A_950 = arith.constant dense<0x7F800000> : vector<512xf32>
        %reduce_min3A_951 = vector.multi_reduction <minimumf>, %select_n3A_949, %reduce_min3A_950 [1] : vector<512x4096xf32> to vector<512xf32>
        %broadcast_in_dim3A_952 = vector.shape_cast %reduce_min3A_951 : vector<512xf32> to vector<512x1xf32>
        %eq3A_953 = vector.broadcast %broadcast_in_dim3A_952 : vector<512x1xf32> to vector<512x4096xf32>
        %eq3A_954 = arith.cmpf oeq, %convert_element_type3A_879, %eq3A_953 : vector<512x4096xf32>
        %broadcast_in_dim3A_955 = vector.broadcast %cond3A_875 : f32 to vector<512x4096xf32>
        %select_n3A_956 = arith.select %eq3A_954, %broadcast_in_dim3A_955, %get3A_942 : vector<512x4096xi1>, vector<512x4096xf32>
        %swap3A_957 = arith.constant 0 : index
        %swap3A_958 = arith.constant 0 : index
        %swap3A_959 = vector.load %arg7[%swap3A_957, %swap3A_958] : memref<512x4096xf32, #tpu.memory_space<vmem>>, vector<512x4096xf32>
        tpu.vector_store %arg7[%swap3A_957, %swap3A_958], %select_n3A_956 {strides = array<i32>} : memref<512x4096xf32, #tpu.memory_space<vmem>>, vector<512x4096xf32>,
        %get3A_960 = arith.constant 0 : index
        %get3A_961 = arith.constant 0 : index
        %get3A_962 = vector.load %arg7[%get3A_960, %get3A_961] : memref<512x4096xf32, #tpu.memory_space<vmem>>, vector<512x4096xf32>
        %reduce_min3A_963 = arith.constant dense<0x7F800000> : vector<512xf32>
        %reduce_min3A_964 = vector.multi_reduction <minimumf>, %get3A_962, %reduce_min3A_963 [1] : vector<512x4096xf32> to vector<512xf32>
        %broadcast_in_dim3A_965 = vector.shape_cast %reduce_min3A_964 : vector<512xf32> to vector<512x1xf32>
        %eq3A_966 = vector.broadcast %broadcast_in_dim3A_965 : vector<512x1xf32> to vector<512x4096xf32>
        %eq3A_967 = arith.cmpf oeq, %get3A_962, %eq3A_966 : vector<512x4096xf32>
        %broadcast_in_dim3A_968 = vector.broadcast %cond3A_874 : f32 to vector<512x4096xf32>
        %select_n3A_969 = arith.select %eq3A_967, %convert_element_type3A_879, %broadcast_in_dim3A_968 : vector<512x4096xi1>, vector<512x4096xf32>
        %reduce_min3A_970 = arith.constant dense<0x7F800000> : vector<512xf32>
        %reduce_min3A_971 = vector.multi_reduction <minimumf>, %select_n3A_969, %reduce_min3A_970 [1] : vector<512x4096xf32> to vector<512xf32>
        %broadcast_in_dim3A_972 = vector.shape_cast %reduce_min3A_971 : vector<512xf32> to vector<512x1xf32>
        %eq3A_973 = vector.broadcast %broadcast_in_dim3A_972 : vector<512x1xf32> to vector<512x4096xf32>
        %eq3A_974 = arith.cmpf oeq, %convert_element_type3A_879, %eq3A_973 : vector<512x4096xf32>
        %broadcast_in_dim3A_975 = vector.broadcast %cond3A_875 : f32 to vector<512x4096xf32>
        %select_n3A_976 = arith.select %eq3A_974, %broadcast_in_dim3A_975, %get3A_962 : vector<512x4096xi1>, vector<512x4096xf32>
        %swap3A_977 = arith.constant 0 : index
        %swap3A_978 = arith.constant 0 : index
        %swap3A_979 = vector.load %arg7[%swap3A_977, %swap3A_978] : memref<512x4096xf32, #tpu.memory_space<vmem>>, vector<512x4096xf32>
        tpu.vector_store %arg7[%swap3A_977, %swap3A_978], %select_n3A_976 {strides = array<i32>} : memref<512x4096xf32, #tpu.memory_space<vmem>>, vector<512x4096xf32>,
        %get3A_980 = arith.constant 0 : index
        %get3A_981 = arith.constant 0 : index
        %get3A_982 = vector.load %arg7[%get3A_980, %get3A_981] : memref<512x4096xf32, #tpu.memory_space<vmem>>, vector<512x4096xf32>
        %reduce_min3A_983 = arith.constant dense<0x7F800000> : vector<512xf32>
        %reduce_min3A_984 = vector.multi_reduction <minimumf>, %get3A_982, %reduce_min3A_983 [1] : vector<512x4096xf32> to vector<512xf32>
        %broadcast_in_dim3A_985 = vector.shape_cast %reduce_min3A_984 : vector<512xf32> to vector<512x1xf32>
        %eq3A_986 = vector.broadcast %broadcast_in_dim3A_985 : vector<512x1xf32> to vector<512x4096xf32>
        %eq3A_987 = arith.cmpf oeq, %get3A_982, %eq3A_986 : vector<512x4096xf32>
        %broadcast_in_dim3A_988 = vector.broadcast %cond3A_874 : f32 to vector<512x4096xf32>
        %select_n3A_989 = arith.select %eq3A_987, %convert_element_type3A_879, %broadcast_in_dim3A_988 : vector<512x4096xi1>, vector<512x4096xf32>
        %reduce_min3A_990 = arith.constant dense<0x7F800000> : vector<512xf32>
        %reduce_min3A_991 = vector.multi_reduction <minimumf>, %select_n3A_989, %reduce_min3A_990 [1] : vector<512x4096xf32> to vector<512xf32>
        %broadcast_in_dim3A_992 = vector.shape_cast %reduce_min3A_991 : vector<512xf32> to vector<512x1xf32>
        %eq3A_993 = vector.broadcast %broadcast_in_dim3A_992 : vector<512x1xf32> to vector<512x4096xf32>
        %eq3A_994 = arith.cmpf oeq, %convert_element_type3A_879, %eq3A_993 : vector<512x4096xf32>
        %broadcast_in_dim3A_995 = vector.broadcast %cond3A_875 : f32 to vector<512x4096xf32>
        %select_n3A_996 = arith.select %eq3A_994, %broadcast_in_dim3A_995, %get3A_982 : vector<512x4096xi1>, vector<512x4096xf32>
        %swap3A_997 = arith.constant 0 : index
        %swap3A_998 = arith.constant 0 : index
        %swap3A_999 = vector.load %arg7[%swap3A_997, %swap3A_998] : memref<512x4096xf32, #tpu.memory_space<vmem>>, vector<512x4096xf32>
        tpu.vector_store %arg7[%swap3A_997, %swap3A_998], %select_n3A_996 {strides = array<i32>} : memref<512x4096xf32, #tpu.memory_space<vmem>>, vector<512x4096xf32>,
        %get3A_1000 = arith.constant 0 : index
        %get3A_1001 = arith.constant 0 : index
        %get3A_1002 = vector.load %arg7[%get3A_1000, %get3A_1001] : memref<512x4096xf32, #tpu.memory_space<vmem>>, vector<512x4096xf32>
        %reduce_min3A_1003 = arith.constant dense<0x7F800000> : vector<512xf32>
        %reduce_min3A_1004 = vector.multi_reduction <minimumf>, %get3A_1002, %reduce_min3A_1003 [1] : vector<512x4096xf32> to vector<512xf32>
        %broadcast_in_dim3A_1005 = vector.shape_cast %reduce_min3A_1004 : vector<512xf32> to vector<512x1xf32>
        %eq3A_1006 = vector.broadcast %broadcast_in_dim3A_1005 : vector<512x1xf32> to vector<512x4096xf32>
        %eq3A_1007 = arith.cmpf oeq, %get3A_1002, %eq3A_1006 : vector<512x4096xf32>
        %broadcast_in_dim3A_1008 = vector.broadcast %cond3A_874 : f32 to vector<512x4096xf32>
        %select_n3A_1009 = arith.select %eq3A_1007, %convert_element_type3A_879, %broadcast_in_dim3A_1008 : vector<512x4096xi1>, vector<512x4096xf32>
        %reduce_min3A_1010 = arith.constant dense<0x7F800000> : vector<512xf32>
        %reduce_min3A_1011 = vector.multi_reduction <minimumf>, %select_n3A_1009, %reduce_min3A_1010 [1] : vector<512x4096xf32> to vector<512xf32>
        %broadcast_in_dim3A_1012 = vector.shape_cast %reduce_min3A_1011 : vector<512xf32> to vector<512x1xf32>
        %eq3A_1013 = vector.broadcast %broadcast_in_dim3A_1012 : vector<512x1xf32> to vector<512x4096xf32>
        %eq3A_1014 = arith.cmpf oeq, %convert_element_type3A_879, %eq3A_1013 : vector<512x4096xf32>
        %broadcast_in_dim3A_1015 = vector.broadcast %cond3A_875 : f32 to vector<512x4096xf32>
        %select_n3A_1016 = arith.select %eq3A_1014, %broadcast_in_dim3A_1015, %get3A_1002 : vector<512x4096xi1>, vector<512x4096xf32>
        %swap3A_1017 = arith.constant 0 : index
        %swap3A_1018 = arith.constant 0 : index
        %swap3A_1019 = vector.load %arg7[%swap3A_1017, %swap3A_1018] : memref<512x4096xf32, #tpu.memory_space<vmem>>, vector<512x4096xf32>
        tpu.vector_store %arg7[%swap3A_1017, %swap3A_1018], %select_n3A_1016 {strides = array<i32>} : memref<512x4096xf32, #tpu.memory_space<vmem>>, vector<512x4096xf32>,
        %get3A_1020 = arith.constant 0 : index
        %get3A_1021 = arith.constant 0 : index
        %get3A_1022 = vector.load %arg7[%get3A_1020, %get3A_1021] : memref<512x4096xf32, #tpu.memory_space<vmem>>, vector<512x4096xf32>
        %reduce_min3A_1023 = arith.constant dense<0x7F800000> : vector<512xf32>
        %reduce_min3A_1024 = vector.multi_reduction <minimumf>, %get3A_1022, %reduce_min3A_1023 [1] : vector<512x4096xf32> to vector<512xf32>
        %broadcast_in_dim3A_1025 = vector.shape_cast %reduce_min3A_1024 : vector<512xf32> to vector<512x1xf32>
        %eq3A_1026 = vector.broadcast %broadcast_in_dim3A_1025 : vector<512x1xf32> to vector<512x4096xf32>
        %eq3A_1027 = arith.cmpf oeq, %get3A_1022, %eq3A_1026 : vector<512x4096xf32>
        %broadcast_in_dim3A_1028 = vector.broadcast %cond3A_874 : f32 to vector<512x4096xf32>
        %select_n3A_1029 = arith.select %eq3A_1027, %convert_element_type3A_879, %broadcast_in_dim3A_1028 : vector<512x4096xi1>, vector<512x4096xf32>
        %reduce_min3A_1030 = arith.constant dense<0x7F800000> : vector<512xf32>
        %reduce_min3A_1031 = vector.multi_reduction <minimumf>, %select_n3A_1029, %reduce_min3A_1030 [1] : vector<512x4096xf32> to vector<512xf32>
        %broadcast_in_dim3A_1032 = vector.shape_cast %reduce_min3A_1031 : vector<512xf32> to vector<512x1xf32>
        %concatenate3A_1033 = tpu.concatenate %broadcast_in_dim3A_885, %broadcast_in_dim3A_905, %broadcast_in_dim3A_925, %broadcast_in_dim3A_945, %broadcast_in_dim3A_965, %broadcast_in_dim3A_985, %broadcast_in_dim3A_1005, %broadcast_in_dim3A_1025 in 1 : vector<512x1xf32>, vector<512x1xf32>, vector<512x1xf32>, vector<512x1xf32>, vector<512x1xf32>, vector<512x1xf32>, vector<512x1xf32>, vector<512x1xf32> -> vector<512x8xf32>
        %swap3A_1034 = arith.constant 0 : index
        %swap3A_1035 = arith.constant 0 : index
        %swap3A_1036 = vector.load %arg5[%swap3A_1034, %swap3A_1035] : memref<512x8xf32, #tpu.memory_space<vmem>>, vector<512x8xf32>
        tpu.vector_store %arg5[%swap3A_1034, %swap3A_1035], %concatenate3A_1033 {strides = array<i32>} : memref<512x8xf32, #tpu.memory_space<vmem>>, vector<512x8xf32>,
        %concatenate3A_1037 = tpu.concatenate %broadcast_in_dim3A_892, %broadcast_in_dim3A_912, %broadcast_in_dim3A_932, %broadcast_in_dim3A_952, %broadcast_in_dim3A_972, %broadcast_in_dim3A_992, %broadcast_in_dim3A_1012, %broadcast_in_dim3A_1032 in 1 : vector<512x1xf32>, vector<512x1xf32>, vector<512x1xf32>, vector<512x1xf32>, vector<512x1xf32>, vector<512x1xf32>, vector<512x1xf32>, vector<512x1xf32> -> vector<512x8xf32>
        %convert_element_type3A_1038 = arith.fptosi %concatenate3A_1037 : vector<512x8xf32> to vector<512x8xi32>
        %swap3A_1039 = arith.constant 0 : index
        %swap3A_1040 = arith.constant 0 : index
        %swap3A_1041 = vector.load %arg6[%swap3A_1039, %swap3A_1040] : memref<512x8xi32, #tpu.memory_space<vmem>>, vector<512x8xi32>
        tpu.vector_store %arg6[%swap3A_1039, %swap3A_1040], %convert_element_type3A_1038 {strides = array<i32>} : memref<512x8xi32, #tpu.memory_space<vmem>>, vector<512x8xi32>,
      } else {
      }
    } else {
    }
    return
  }
  func.func @transform_0(%arg0: i32) -> (i32, i32) {
    %c0_i32 = arith.constant 0 : i32
    %c0_i32_0 = arith.constant 0 : i32
    %c0_i32_1 = arith.constant 0 : i32
    return %c0_i32, %c0_i32_0 : i32, i32
  }
  func.func @transform_1(%arg0: i32) -> (i32, i32) {
    %c0_i32 = arith.constant 0 : i32
    %c0_i32_0 = arith.constant 0 : i32
    return %arg0, %c0_i32 : i32, i32
  }
  func.func @transform_2(%arg0: i32) -> (i32, i32) {
    %c0_i32 = arith.constant 0 : i32
    %c0_i32_0 = arith.constant 0 : i32
    %c0_i32_1 = arith.constant 0 : i32
    return %c0_i32, %c0_i32_0 : i32, i32
  }
  func.func @transform_3(%arg0: i32) -> (i32, i32) {
    %c0_i32 = arith.constant 0 : i32
    %c0_i32_0 = arith.constant 0 : i32
    return %c0_i32, %arg0 : i32, i32
  }
  func.func @transform_4(%arg0: i32) -> (i32, i32) {
    %c0_i32 = arith.constant 0 : i32
    %c0_i32_0 = arith.constant 0 : i32
    %c0_i32_1 = arith.constant 0 : i32
    return %c0_i32, %c0_i32_0 : i32, i32
  }
  func.func @transform_5(%arg0: i32) -> (i32, i32) {
    %c0_i32 = arith.constant 0 : i32
    %c0_i32_0 = arith.constant 0 : i32
    %c0_i32_1 = arith.constant 0 : i32
    return %c0_i32, %c0_i32_0 : i32, i32
  }
}

</mosaic_0001>

<sc_bundles>
// kernel: kernel.4.cloned.1.call-start
scs
__scs_entry_jumppad:
0x0: {  	(pc) =	sbr.rel $0x88, $3  }
0x1: {  	(tag) =	ssettag $0x0;
	lr =	simm.s32 $0x1  }
0x2: {  	[smem:$0x3F9E] =	sst lr;
	_ =	strace $0xD0000000  }
0x3: {  	_ = 	snop  }
0x4: {  	_ = 	snop  }
0x5: {  	_ = 	snop  }
0x6: {  	_ = 	snop  }
0x7: {  	_ = 	snop  }
__scs_overlays_trampoline_lowered:
0x8: {  	[smem:$0x3FAD] =	sst s0  }
0x9: {  	[smem:$0x3FAE] =	sst s1  }
0xa: {  	[smem:$0x3FAF] =	sst s2  }
0xb: {  	[smem:$0x3FB0] =	sst s3  }
0xc: {  	[smem:$0x3FB1] =	sst s4  }
0xd: {  	[smem:$0x3FB2] =	sst s5  }
0xe: {  	[smem:$0x3FB3] =	sst s6  }
0xf: {  	[smem:$0x3FB4] =	sst s7  }
0x10: {  	[smem:$0x3FB5] =	sst s8  }
0x11: {  	[smem:$0x3FB6] =	sst s9;
	s0 =	simm.s32 @!p0 $0x0  }
0x12: {  	s1 =	sld [smem:$0x3F9C];
	s0 =	simm.s32 @p0 $0x1  }
0x13: {  	[smem:$0x3FB7] =	sst s0;
	s0 =	simm.s32 @!p1 $0x0  }
0x14: {  	s2 =	sld [smem:$0x3F9B];
	s0 =	simm.s32 @p1 $0x1  }
0x15: {  	[smem:$0x3FB8] =	sst s0;
	s0 =	simm.s32 @!p2 $0x0  }
0x16: {  	s3 =	sld [smem:$0x3FDB];
	s0 =	simm.s32 @p2 $0x1  }
0x17: {  	s4 =	simm.s32 $0x1BF5;
	[smem:$0x3FBA] =	sst s0  }
0x18: {  	s0 =	sld [smem:$0x3F9D];
	_ =	swait.ge [sflag:s4], $0x0  }
0x19: {  	s7 =	sld [smem:$0x3F9E]  }
0x1a: {  	s8 =	sadd.s32 $0xFFFFE003, lr  }
0x1b: {  	s9 =	sadd.s32 $0xFFFFFEF7, lr;
	s5 =	simm.s32 $0xFFFFFFFF;
	p2 =	slt.u32 s8, $0xFFFFF086  }
0x1c: {  	p1 =	slt.u32 s9, $0xF7A;
	s5 =	simm.s32 @!p2 $0x0  }
0x1d: {  	s5 =	simm.s32 @p1 $0x1;
	p0 =	seq.s32 s7, s2  }
0x1e: {  	s7 =	smul.u32 @!p0 $0xF7A, s2;
	p2 =	seq.s32 @!p0 s5, $0x0  }
0x1f: {  	s9 =	smul.u32 $0xF7A, s1;
	s8 =	simm.s32 @!p0 $0x1BF5;
	p2 =	por !p2, p0  }
0x20: {  	[sflag:s8] =	ssyncset.s32 @!p0 $0xFFFFF086;
	s6 =	sadd.s32 @!p0 s3, s7;
	s7 =	simm.s32 @!p0 $0x108  }
0x21: {  	s3 =	sadd.s32 s3, s9;
	s6 =	sadd.s32 @!p0 $0x88, s6;
	s7 =	simm.s32 @p2 $0x1082  }
0x22: {  	[simem:s7], [sflag:s8] =	dma.local @!p0 [hbm:s6], $0xF7A  }
0x23: {  	s9 =	sor.u32 $0xD0000000, s2;
	s6 =	simm.s32 $0x108;
	_ =	swait.ge @!p0 [sflag:s8], $0x0  }
0x24: {  	s3 =	sadd.s32 $0x88, s3;
	s6 =	simm.s32 @!p1 $0x1082;
	[sflag:s4] =	ssyncset.s32 $0xFFFFF086  }
0x25: {  	[simem:s6], [sflag:s4] =	dma.local [hbm:s3], $0xF7A  }
0x26: {  	[smem:$0x3F9E] =	sst s1;
	(tag) =	ssettag s2;
	_ =	strace s9  }
0x27: {  	s1 =	sld [smem:$0x3FAE]  }
0x28: {  	s2 =	sld [smem:$0x3FAF]  }
0x29: {  	s4 =	sld [smem:$0x3FB1]  }
0x2a: {  	p0 =	seq.s32 s5, $0x0;
	s5 =	sld [smem:$0x3FB2]  }
0x2b: {  	s6 =	sld [smem:$0x3FB3]  }
0x2c: {  	s7 =	sld [smem:$0x3FB4]  }
0x2d: {  	s3 =	simm.s32 $0x108;
	s8 =	sld [smem:$0x3FB5]  }
0x2e: {  	s3 =	simm.s32 @!p0 $0x1082;
	s9 =	sld [smem:$0x3FB6]  }
0x2f: {  	lr =	sadd.s32 s0, s3;
	s0 =	sld [smem:$0x3FAD]  }
0x30: {  	s3 =	sld [smem:$0x3FB0]  }
0x31: {  	[smem:$0x3FB9] =	sst s10  }
0x32: {  	s10 =	sld [smem:$0x3FB7];
	_ =	sdelay $0x3  }
0x33: {  	p0 =	seq.s32 s10, $0x1;
	s10 =	sld [smem:$0x3FB9];
	_ =	sdelay $0x3  }
0x34: {  	[smem:$0x3FB9] =	sst s10  }
0x35: {  	s10 =	sld [smem:$0x3FB8];
	_ =	sdelay $0x3  }
0x36: {  	p1 =	seq.s32 s10, $0x1;
	s10 =	sld [smem:$0x3FB9];
	_ =	sdelay $0x3  }
0x37: {  	[smem:$0x3FB9] =	sst s10  }
0x38: {  	s10 =	sld [smem:$0x3FBA]  }
0x39: {  	_ = 	snop;
	(pc) =	sbr.ind lr, $3  }
0x3a: {  	_ = 	snop  }
0x3b: {  	_ = 	snop  }
0x3c: {  	p2 =	seq.s32 s10, $0x1;
	s10 =	sld [smem:$0x3FB9]  }
0x3d: {  	_ =	shalt  }
0x3e: {  	_ =	shalt  }
0x3f: {  	_ =	shalt  }
0x40: {  	_ =	shalt  }
0x41: {  	_ =	shalt  }
0x42: {  	_ =	shalt  }
0x43: {  	_ =	shalt  }
0x44: {  	_ =	shalt  }
0x45: {  	_ =	shalt  }
0x46: {  	_ =	shalt  }
0x47: {  	_ =	shalt  }
0x48: {  	_ =	shalt  }
0x49: {  	_ =	shalt  }
0x4a: {  	_ =	shalt  }
0x4b: {  	_ =	shalt  }
0x4c: {  	_ =	shalt  }
0x4d: {  	_ =	shalt  }
0x4e: {  	_ =	shalt  }
0x4f: {  	_ =	shalt  }
0x50: {  	_ =	shalt  }
0x51: {  	_ =	shalt  }
0x52: {  	_ =	shalt  }
0x53: {  	_ =	shalt  }
0x54: {  	_ =	shalt  }
0x55: {  	_ =	shalt  }
0x56: {  	_ =	shalt  }
0x57: {  	_ =	shalt  }
0x58: {  	_ =	shalt  }
0x59: {  	_ =	shalt  }
0x5a: {  	_ =	shalt  }
0x5b: {  	_ =	shalt  }
0x5c: {  	_ =	shalt  }
0x5d: {  	_ =	shalt  }
0x5e: {  	_ =	shalt  }
0x5f: {  	_ =	shalt  }
0x60: {  	_ =	shalt  }
0x61: {  	_ =	shalt  }
0x62: {  	_ =	shalt  }
0x63: {  	_ =	shalt  }
0x64: {  	_ =	shalt  }
0x65: {  	_ =	shalt  }
0x66: {  	_ =	shalt  }
0x67: {  	_ =	shalt  }
0x68: {  	_ =	shalt  }
0x69: {  	_ =	shalt  }
0x6a: {  	_ =	shalt  }
0x6b: {  	_ =	shalt  }
0x6c: {  	_ =	shalt  }
0x6d: {  	_ =	shalt  }
0x6e: {  	_ =	shalt  }
0x6f: {  	_ =	shalt  }
0x70: {  	_ =	shalt  }
0x71: {  	_ =	shalt  }
0x72: {  	_ =	shalt  }
0x73: {  	_ =	shalt  }
0x74: {  	_ =	shalt  }
0x75: {  	_ =	shalt  }
0x76: {  	_ =	shalt  }
0x77: {  	_ =	shalt  }
0x78: {  	_ =	shalt  }
0x79: {  	_ =	shalt  }
0x7a: {  	_ =	shalt  }
0x7b: {  	_ =	shalt  }
0x7c: {  	_ =	shalt  }
0x7d: {  	_ =	shalt  }
0x7e: {  	_ =	shalt  }
0x7f: {  	_ =	shalt  }
0x80: {  	_ =	shalt  }
0x81: {  	_ =	shalt  }
0x82: {  	_ =	shalt  }
0x83: {  	_ =	shalt  }
0x84: {  	_ =	shalt  }
0x85: {  	_ =	shalt  }
0x86: {  	_ =	shalt  }
0x87: {  	_ =	shalt  }
.Lfunc_end0:
.L_simem_size_0:
called_computation_lowered:
.L_overlay_start_0:
0x88: {  	s2 =	sld [smem:$0x3FD9]  }
0x89: {  	s3 =	sld [smem:$0x3FFE];
	_ =	sdelay $0x1  }
0x8a: {  	s1 =	srdreg.scid  }
0x8b: {  	s0 =	sand.u32 $0x1, s1  }
0x8c: {  	s14 =	sshll.u32 s0, $0xA;
	s2 =	sadd.s32 s3, s2  }
0x8d: {  	s2 =	sadd.s32 s2, s14  }
0x8e: {  	[smem:$0x3FC5] =	sst s2  }
0x8f: {  	_ = 	snop  }
0x90: {  	s2 =	sld [smem:$0x3FD0];
	_ =	sdelay $0x2  }
0x91: {  	s4 =	simm.s32 $0xA;
	s5 =	simm.s32 $0x10;
	s15 =	sld [smem:$0x3FC7]  }
0x92: {  	[smem:s5], [sflag:s4] =	dma.local [hbm:s2], $0x1  }
0x93: {  	_ =	swait.eq [sflag:s4], $0x1  }
0x94: {  	[sflag:s4] =	ssyncset.done $0x0  }
0x95: {  	[sflag:s4] =	ssyncadd.s32 $0xFFFFFFFF  }
0x96: {  	s16 =	sld [smem:$0x11];
	(tm) =	ssettm $0x1  }
0x97: {  	s17 =	sld [smem:$0x3FFB];
	_ =	sdelay $0x3  }
0x98: {  	_ =	strace s17  }
0x99: {  	s4 =	sld [smem:$0x3FFC];
	_ =	sdelay $0x3  }
0x9a: {  	_ =	strace s4  }
0x9b: {  	s4 =	sld [smem:$0x3FFD];
	_ =	sdelay $0x3  }
0x9c: {  	_ =	strace s4  }
0x9d: {  	_ =	strace $0x8FFFFFFF  }
0x9e: {  	s18 =	sld [smem:$0x3FDB];
	_ =	sdelay $0x1  }
0x9f: {  	s19 =	simm.s32 $_scs_section_size  }
0xa0: {  	s6 =	simm.s32 $_size__tile_overlayer_lowered;
	s7 =	simm.s32 $_tile_overlayer_lowered  }
0xa1: {  	s22 =	simm.s32 $0x1BFF;
	s21 =	sshll.u32 s7, $0x1;
	s4 =	sadd.s32 s19, s18  }
0xa2: {  	s8 =	simm.s32 $0x0;
	s20 =	sshll.u32 s6, $0x1;
	s6 =	sadd.s32 s21, s4  }
0xa3: {  	[timem:s8], [sflag:s22] =	dma.local [hbm:s6], s20  }
0xa4: {  	_ =	swait.ge [sflag:s22], s20  }
0xa5: {  	s5 =	ssub.s32 $0x0, s20;
	[sflag:s22] =	ssyncset.done $0x0  }
0xa6: {  	[sflag:s22] =	ssyncadd.s32 s5;
	_ =	sdelay $0x1  }
0xa7: {  	s23 =	simm.s32 $0x1B8B  }
0xa8: {  	_ =	swait.ge [sflag:s23], $0x1  }
0xa9: {  	[sflag:s23] =	ssyncset.done $0x0  }
0xaa: {  	s25 =	simm.s32 $0x1B8E;
	s24 =	sld [smem:$0x3FFE];
	[sflag:s23] =	ssyncadd.s32 $0xFFFFFFFF  }
0xab: {  	s26 =	simm.s32 $execute0_lowered;
	[smem:$0x3FD2] =	sst s25  }
0xac: {  	s6 =	sshll.u32 s26, $0x1;
	_ =	strace $0x80000046;
	[dreg:$0x1] =	wrdreg $0xFFFFFFFF  }
0xad: {  	s28 =	simm.s32 $_size_execute0_lowered;
	s4 =	sadd.s32 s4, s6;
	[dreg:$0x0] =	wrdreg $0x0  }
0xae: {  	s6 =	sshll.u32 s28, $0x1;
	[dreg:$0x2] =	wrdreg s4  }
0xaf: {  	[dreg:$0x3] =	wrdreg s6  }
0xb0: {  	[dreg:$0x4] =	wrdreg $0xC0  }
0xb1: {  	_ =	task [dreg:s8], $0x5FFFF  }
0xb2: {  	[dreg:$0x1] =	wrdreg $0xFFFFFFFF  }
0xb3: {  	[dreg:$0x0] =	wrdreg $0x60  }
0xb4: {  	[dreg:$0x2] =	wrdreg s15  }
0xb5: {  	[dreg:$0x3] =	wrdreg s24  }
0xb6: {  	[dreg:$0x4] =	wrdreg s16  }
0xb7: {  	[dreg:$0x5] =	wrdreg $0x9  }
0xb8: {  	_ =	task.clear_ibuf [dreg:s8], $0x6FFFF;
	_ =	strace $0x90000046  }
0xb9: {  	s29 =	simm.s32 $0x9;
	_ =	strace $0x80000048  }
0xba: {  	_ =	swait.ge [sflag:s29], $0x1  }
0xbb: {  	[sflag:s29] =	ssyncadd.s32 $0xFFFFFFFF  }
0xbc: {  	_ =	strace $0x90000048  }
0xbd: {  	_ =	sfence  }
0xbe: {  	s30 =	sld [smem:$0x0];
	_ =	sdelay $0x2  }
0xbf: {  	s31 =	sshll.u32 s1, $0xD;
	s1 =	sshrl.u32 s1, $0x2  }
0xc0: {  	s3 =	sand.u32 $0x4000, s31;
	s1 =	sadd.s32 s1, s30  }
0xc1: {  	s0 =	sor.u32 s3, s0;
	s1 =	sshll.u32 s1, $0x11  }
0xc2: {  	s0 =	sor.u32 s1, s0  }
0xc3: {  	s0 =	sadd.s32 $0x8F2B, s0  }
0xc4: {  	[sflag:s0] =	ssyncadd.remote.s32 $0x1  }
0xc5: {  	_ =	sfence.sel $0xFFFF  }
0xc6: {  	[dreg:$0x0] =	wrdreg $0xFFFFFFFF;
	(pc) =	sbr.abs _section_cstart, $3  }
0xc7: {  	[dreg:$0x1] =	wrdreg $0xFFFFFFFF  }
0xc8: {  	_ =	task.clear_ibuf [dreg:s8], $0x2FFFF;
	_ =	strace $0x9FFFFFFF  }
0xc9: {  	(tm) =	ssettm $0x7FFFFFFF  }
tec
execute0_lowered:
.L_overlay_start_1:
0x0: {  	(tag) =	ssettag $0x1  }
0x1: {  	s1 =	rddreg [dreg:$0x0]  }
0x2: {  	s2 =	srdreg.scid;
	s4 =	rddreg [dreg:$0x1]  }
0x3: {  	s0 =	stileid.u32;
	s8 =	rddreg [dreg:$0x2]  }
0x4: {  	s3 =	simm.s32 $0x0;
	s14 =	simm.s32 $0x2;
	s5 =	sand.u32 $0x1, s2  }
0x5: {  	s15 =	simm.s32 $0x80;
	s6 =	sshll.u32 s0, $0x8;
	s7 =	sshll.u32 s5, $0x7  }
0x6: {  	s16 =	simm.s32 $0x1;
	s2 =	rddreg [dreg:$0x3];
	s6 =	sor.u32 s7, s6  }
0x7: {  	[smem:$0x7FF] =	sst s3;
	s5 =	ssub.s32 $0x2, s5;
	s7 =	smul.u32 $0x300, s6  }
0x8: {  	s10 =	sshrl.u32 s5, $0x1;
	s9 =	sshrl.u32 s6, $0x3;
	s6 =	smul.u32 $0x1800, s6  }
0x9: {  	_ =	strace $0x80000047;
	s13 =	ssub.s32 s5, s10;
	s4 =	sadd.s32 s9, s4  }
0xa: {  	s13 =	smax.u32 s13, $0x1;
	s5 =	sadd.s32 s8, s7;
	s31 =	sshrl.u32 s6, $0x3  }
0xb: {  	s4 =	sadd.s32 $0x4000, s4;
	s6 =	sadd.s32 $0x3000, s5;
	s12 =	sadd.s32 s8, s31  }
0xc: {  	s7 =	sadd.s32 $0x6000, s5;
	s8 =	sadd.s32 $0x9000, s12;
	s9 =	sadd.s32 $0xC000, s12  }
0xd: {  	v0 =	vlaneseq.u32;
	vm0 =	vmmov $0xffff;
	s10 =	sadd.s32 $0xF000, s12;
	s11 =	sadd.s32 $0x12000, s12;
	s12 =	sadd.s32 $0x15000, s12  }
.LBB2_1:
0xe: {  	[tilespmem:s3], [sflag:$0x2] =	stream.linear.gather [hbm4b:s4+s3], $0x80, $0x38;
	[tilespmem:$0x18080] =	vst v63  }
0xf: {  	_ =	swait.ge [sflag:s14], $0x80  }
0x10: {  	[sflag:s14] =	ssyncset.done $0x0  }
0x11: {  	[sflag:s14] =	ssyncadd.s32 $0xFFFFFF80  }
0x12: {  	v1 =	vld [tilespmem:$0x0];
	_ =	sdelay $0x4  }
0x13: {  	v1 =	vmul.u32 $0x1800, v1;
	_ =	sdelay $0x1  }
0x14: {  	v1 =	vperm.xlane v1, v0;
	_ =	sdelay $0x5  }
0x15: {  	[tilespmem:s15], [sflag:$0x1] =	stream.indirect_vreg.gather [hbm4b:s1+s3], $0x1800, v1, vm0, $0x38;
	[tilespmem:$0x18080] =	vst v63  }
0x16: {  	_ =	swait.ge [sflag:s16], $0x18000  }
0x17: {  	[sflag:s16] =	ssyncset.done $0x0  }
0x18: {  	[sflag:s16] =	ssyncadd.s32 $0xFFFE8000  }
0x19: {  	[hbm4b:s5+s3] =	stream.linear.scatter [tilespmem:s15], [sflag:$0x2], $0x18000, $0x38;
	[tilespmem:$0x18080] =	vst v63  }
0x1a: {  	_ =	swait.ge [sflag:s14], $0x18000  }
0x1b: {  	[sflag:s14] =	ssyncset.done $0x0  }
0x1c: {  	[sflag:s14] =	ssyncadd.s32 $0xFFFE8000  }
0x1d: {  	v1 =	vld [tilespmem:$0x10];
	_ =	sdelay $0x4  }
0x1e: {  	v1 =	vmul.u32 $0x1800, v1;
	_ =	sdelay $0x1  }
0x1f: {  	v1 =	vperm.xlane v1, v0;
	_ =	sdelay $0x5  }
0x20: {  	[tilespmem:s15], [sflag:$0x1] =	stream.indirect_vreg.gather [hbm4b:s1+s3], $0x1800, v1, vm0, $0x38;
	[tilespmem:$0x18080] =	vst v63  }
0x21: {  	_ =	swait.ge [sflag:s16], $0x18000  }
0x22: {  	[sflag:s16] =	ssyncset.done $0x0  }
0x23: {  	[sflag:s16] =	ssyncadd.s32 $0xFFFE8000  }
0x24: {  	[hbm4b:s6+s3] =	stream.linear.scatter [tilespmem:s15], [sflag:$0x2], $0x18000, $0x38;
	[tilespmem:$0x18080] =	vst v63  }
0x25: {  	_ =	swait.ge [sflag:s14], $0x18000  }
0x26: {  	[sflag:s14] =	ssyncset.done $0x0  }
0x27: {  	[sflag:s14] =	ssyncadd.s32 $0xFFFE8000  }
0x28: {  	v1 =	vld [tilespmem:$0x20];
	_ =	sdelay $0x4  }
0x29: {  	v1 =	vmul.u32 $0x1800, v1;
	_ =	sdelay $0x1  }
0x2a: {  	v1 =	vperm.xlane v1, v0;
	_ =	sdelay $0x5  }
0x2b: {  	[tilespmem:s15], [sflag:$0x1] =	stream.indirect_vreg.gather [hbm4b:s1+s3], $0x1800, v1, vm0, $0x38;
	[tilespmem:$0x18080] =	vst v63  }
0x2c: {  	_ =	swait.ge [sflag:s16], $0x18000  }
0x2d: {  	[sflag:s16] =	ssyncset.done $0x0  }
0x2e: {  	[sflag:s16] =	ssyncadd.s32 $0xFFFE8000  }
0x2f: {  	[hbm4b:s7+s3] =	stream.linear.scatter [tilespmem:s15], [sflag:$0x2], $0x18000, $0x38;
	[tilespmem:$0x18080] =	vst v63  }
0x30: {  	_ =	swait.ge [sflag:s14], $0x18000  }
0x31: {  	[sflag:s14] =	ssyncset.done $0x0  }
0x32: {  	[sflag:s14] =	ssyncadd.s32 $0xFFFE8000  }
0x33: {  	v1 =	vld [tilespmem:$0x30];
	_ =	sdelay $0x4  }
0x34: {  	v1 =	vmul.u32 $0x1800, v1;
	_ =	sdelay $0x1  }
0x35: {  	v1 =	vperm.xlane v1, v0;
	_ =	sdelay $0x5  }
0x36: {  	[tilespmem:s15], [sflag:$0x1] =	stream.indirect_vreg.gather [hbm4b:s1+s3], $0x1800, v1, vm0, $0x38;
	[tilespmem:$0x18080] =	vst v63  }
0x37: {  	_ =	swait.ge [sflag:s16], $0x18000  }
0x38: {  	[sflag:s16] =	ssyncset.done $0x0  }
0x39: {  	[sflag:s16] =	ssyncadd.s32 $0xFFFE8000  }
0x3a: {  	[hbm4b:s8+s3] =	stream.linear.scatter [tilespmem:s15], [sflag:$0x2], $0x18000, $0x38;
	[tilespmem:$0x18080] =	vst v63  }
0x3b: {  	_ =	swait.ge [sflag:s14], $0x18000  }
0x3c: {  	[sflag:s14] =	ssyncset.done $0x0  }
0x3d: {  	[sflag:s14] =	ssyncadd.s32 $0xFFFE8000  }
0x3e: {  	v1 =	vld [tilespmem:$0x40];
	_ =	sdelay $0x4  }
0x3f: {  	v1 =	vmul.u32 $0x1800, v1;
	_ =	sdelay $0x1  }
0x40: {  	v1 =	vperm.xlane v1, v0;
	_ =	sdelay $0x5  }
0x41: {  	[tilespmem:s15], [sflag:$0x1] =	stream.indirect_vreg.gather [hbm4b:s1+s3], $0x1800, v1, vm0, $0x38;
	[tilespmem:$0x18080] =	vst v63  }
0x42: {  	_ =	swait.ge [sflag:s16], $0x18000  }
0x43: {  	[sflag:s16] =	ssyncset.done $0x0  }
0x44: {  	[sflag:s16] =	ssyncadd.s32 $0xFFFE8000  }
0x45: {  	[hbm4b:s9+s3] =	stream.linear.scatter [tilespmem:s15], [sflag:$0x2], $0x18000, $0x38;
	[tilespmem:$0x18080] =	vst v63  }
0x46: {  	_ =	swait.ge [sflag:s14], $0x18000  }
0x47: {  	[sflag:s14] =	ssyncset.done $0x0  }
0x48: {  	[sflag:s14] =	ssyncadd.s32 $0xFFFE8000  }
0x49: {  	v1 =	vld [tilespmem:$0x50];
	_ =	sdelay $0x4  }
0x4a: {  	v1 =	vmul.u32 $0x1800, v1;
	_ =	sdelay $0x1  }
0x4b: {  	v1 =	vperm.xlane v1, v0;
	_ =	sdelay $0x5  }
0x4c: {  	[tilespmem:s15], [sflag:$0x1] =	stream.indirect_vreg.gather [hbm4b:s1+s3], $0x1800, v1, vm0, $0x38;
	[tilespmem:$0x18080] =	vst v63  }
0x4d: {  	_ =	swait.ge [sflag:s16], $0x18000  }
0x4e: {  	[sflag:s16] =	ssyncset.done $0x0  }
0x4f: {  	[sflag:s16] =	ssyncadd.s32 $0xFFFE8000  }
0x50: {  	[hbm4b:s10+s3] =	stream.linear.scatter [tilespmem:s15], [sflag:$0x2], $0x18000, $0x38;
	[tilespmem:$0x18080] =	vst v63  }
0x51: {  	_ =	swait.ge [sflag:s14], $0x18000  }
0x52: {  	[sflag:s14] =	ssyncset.done $0x0  }
0x53: {  	[sflag:s14] =	ssyncadd.s32 $0xFFFE8000  }
0x54: {  	v1 =	vld [tilespmem:$0x60];
	_ =	sdelay $0x4  }
0x55: {  	v1 =	vmul.u32 $0x1800, v1;
	_ =	sdelay $0x1  }
0x56: {  	v1 =	vperm.xlane v1, v0;
	_ =	sdelay $0x5  }
0x57: {  	[tilespmem:s15], [sflag:$0x1] =	stream.indirect_vreg.gather [hbm4b:s1+s3], $0x1800, v1, vm0, $0x38;
	[tilespmem:$0x18080] =	vst v63  }
0x58: {  	_ =	swait.ge [sflag:s16], $0x18000  }
0x59: {  	[sflag:s16] =	ssyncset.done $0x0  }
0x5a: {  	[sflag:s16] =	ssyncadd.s32 $0xFFFE8000  }
0x5b: {  	[hbm4b:s11+s3] =	stream.linear.scatter [tilespmem:s15], [sflag:$0x2], $0x18000, $0x38;
	[tilespmem:$0x18080] =	vst v63  }
0x5c: {  	_ =	swait.ge [sflag:s14], $0x18000  }
0x5d: {  	[sflag:s14] =	ssyncset.done $0x0  }
0x5e: {  	[sflag:s14] =	ssyncadd.s32 $0xFFFE8000  }
0x5f: {  	v1 =	vld [tilespmem:$0x70];
	_ =	sdelay $0x4  }
0x60: {  	v1 =	vmul.u32 $0x1800, v1;
	_ =	sdelay $0x1  }
0x61: {  	v1 =	vperm.xlane v1, v0;
	_ =	sdelay $0x5  }
0x62: {  	[tilespmem:s15], [sflag:$0x1] =	stream.indirect_vreg.gather [hbm4b:s1+s3], $0x1800, v1, vm0, $0x38;
	[tilespmem:$0x18080] =	vst v63  }
0x63: {  	_ =	swait.ge [sflag:s16], $0x18000  }
0x64: {  	p0 =	sne.s32 s13, $0x1;
	[sflag:s16] =	ssyncset.done $0x0  }
.Ltmp0:
0x65: {  	[sflag:s16] =	ssyncadd.s32 $0xFFFE8000;
	(pc) =	sbr.rel @p0 .LBB2_1-.Ltmp0, $4  }
0x66: {  	[hbm4b:s12+s3] =	stream.linear.scatter [tilespmem:s15], [sflag:$0x2], $0x18000, $0x38;
	[tilespmem:$0x18080] =	vst v63  }
0x67: {  	_ =	swait.ge [sflag:s14], $0x18000  }
0x68: {  	[sflag:s14] =	ssyncset.done $0x0  }
0x69: {  	s13 =	sadd.s32 $0xFFFFFFFF, s13;
	[sflag:s14] =	ssyncadd.s32 $0xFFFE8000  }
0x6a: {  	_ =	sfence.sel $0x180000  }
0x6b: {  	[bflag:$0x0] =	sbarrier.arrive $0xFFFF  }
0x6c: {  	p0 =	sne.s32 s0, $0x0;
	_ =	strace $0x90000047  }
0x6d: {  	s0 =	sadd.s32 @!p0 $0x100000, s2;
	[bflag:$0x2] =	sbarrier.arrive $0xFFFF  }
0x6e: {  	[sflag:s0] =	ssyncadd.tile.s32 @!p0 $0x1;
	_ =	shalt  }
.Lfunc_end2:
_tile_overlayer_lowered:
.L_overlay_start_2:
0x6f: {  	(tag) =	ssettag $0x2  }
0x70: {  	s0 =	rddreg [dreg:$0x0];
	s2 =	stileid.u32  }
0x71: {  	s1 =	rddreg [dreg:$0x1];
	p0 =	sne.s32 s2, $0x0  }
0x72: {  	s3 =	rddreg [dreg:$0x2];
	[bflag:$0x3] =	sbarrier.arrive $0xFFFF;
	s2 =	simm.s32 @!p0 $0x1C02  }
0x73: {  	[timem:s3], [sflag:s2] =	dma.local @!p0 [hbm:s0], s1  }
0x74: {  	s0 =	simm.s32 @!p0 $0x2  }
0x75: {  	_ =	swait.ge @!p0 [sflag:s0], s1  }
0x76: {  	s1 =	ssub.s32 @!p0 $0x0, s1;
	[sflag:s0] =	ssyncset.done @!p0 $0x0  }
0x77: {  	[sflag:s0] =	ssyncadd.s32 @!p0 s1  }
0x78: {  	[bflag:$0x3] =	sbarrier.arrive $0xFFFF  }
0x79: {  	_ =	shalt  }

</sc_bundles>
